<compile_context>
chip_gen: v7x
topology: tpu7x:2x2x1
jax: 0.10.2.dev20260603
libtpu: 0.0.44.dev20260713+nightly
codegen_flags: <defaults>
</compile_context>

<pallas_src>
import functools

import jax
import jax.numpy as jnp
from jax import lax
from jax.experimental import pallas as pl
from jax.experimental.pallas import tpu as pltpu
from jax.experimental.pallas import tpu_sc as plsc

N, E, DIN, H, HD, DOUT, B = 10000, 320000, 128, 4, 32, 64, 65536
F1 = H * HD
NC, NS = 2, 16
NW = NC * NS
EPT = E // NW
KE = 80
NCH = EPT // KE
RPT = 624
RTAIL0 = NS * RPT
RTAIL = N - RTAIL0
BPT = B // NW
KP = 128
PCH = BPT // KP

_f32 = jnp.float32
_i32 = jnp.int32


_RB = 1000
_NB = N // _RB


def _tc_in_kernel(x_ref, w_ref, as_ref, ad_ref, h_ref, als_ref, ald_ref):
    h = jnp.dot(x_ref[...], w_ref[...], preferred_element_type=_f32)
    h_ref[...] = h
    als_ref[...] = jnp.dot(h, as_ref[...], preferred_element_type=_f32)
    ald_ref[...] = jnp.dot(h, ad_ref[...], preferred_element_type=_f32)


def _tc_input_stage(x, W1, ASs, ASd):
    return pl.pallas_call(
        _tc_in_kernel,
        grid=(_NB,),
        in_specs=[
            pl.BlockSpec((_RB, DIN), lambda i: (i, 0)),
            pl.BlockSpec((DIN, F1), lambda i: (0, 0)),
            pl.BlockSpec((F1, 16), lambda i: (0, 0)),
            pl.BlockSpec((F1, 16), lambda i: (0, 0)),
        ],
        out_specs=[
            pl.BlockSpec((_RB, F1), lambda i: (i, 0)),
            pl.BlockSpec((_RB, 16), lambda i: (i, 0)),
            pl.BlockSpec((_RB, 16), lambda i: (i, 0)),
        ],
        out_shape=[
            jax.ShapeDtypeStruct((N, F1), _f32),
            jax.ShapeDtypeStruct((N, 16), _f32),
            jax.ShapeDtypeStruct((N, 16), _f32),
        ],
    )(x, W1, ASs, ASd)


def _tc_stats_kernel(acc_ref, p_ref, s_ref, b_ref, ssum_ref, ssq_ref):
    i = pl.program_id(0)
    accsum = acc_ref[0] + acc_ref[1]
    o = jnp.dot(accsum, p_ref[...], preferred_element_type=_f32)
    dn = jnp.dot(accsum, s_ref[...], preferred_element_type=_f32)
    o = o / (dn + 1e-16) + b_ref[...]

    @pl.when(i == 0)
    def _():
        ssum_ref[...] = jnp.zeros_like(ssum_ref)
        ssq_ref[...] = jnp.zeros_like(ssq_ref)

    ssum_ref[...] += jnp.sum(o, axis=0, keepdims=True)
    ssq_ref[...] += jnp.sum(o * o, axis=0, keepdims=True)


def _tc_stats_stage(acc, P, S, b, wp, win):
    return pl.pallas_call(
        _tc_stats_kernel,
        grid=(_NB,),
        in_specs=[
            pl.BlockSpec((2, _RB, wp), lambda i: (0, i, 0)),
            pl.BlockSpec((wp, win), lambda i: (0, 0)),
            pl.BlockSpec((wp, win), lambda i: (0, 0)),
            pl.BlockSpec((1, win), lambda i: (0, 0)),
        ],
        out_specs=[
            pl.BlockSpec((1, win), lambda i: (0, 0)),
            pl.BlockSpec((1, win), lambda i: (0, 0)),
        ],
        out_shape=[
            jax.ShapeDtypeStruct((1, win), _f32),
            jax.ShapeDtypeStruct((1, win), _f32),
        ],
    )(acc, P, S, b)


def _tc_mid_kernel(acc_ref, p_ref, s_ref, b_ref, g_ref, be_ref, w_ref,
                   as_ref, ad_ref, ssum_ref, ssq_ref,
                   out_ref, als_ref, ald_ref):
    accsum = acc_ref[0] + acc_ref[1]
    o = jnp.dot(accsum, p_ref[...], preferred_element_type=_f32)
    dn = jnp.dot(accsum, s_ref[...], preferred_element_type=_f32)
    o = o / (dn + 1e-16) + b_ref[...]
    mu = ssum_ref[...] / N
    var = ssq_ref[...] / N - mu * mu
    xn = (o - mu) * lax.rsqrt(jnp.abs(var) + 1e-5) * g_ref[...] + be_ref[...]
    h1 = jnp.where(xn > 0, xn, jnp.exp(xn) - 1.0)
    h2 = jnp.dot(h1, w_ref[...], preferred_element_type=_f32)
    out_ref[...] = h2
    als_ref[...] = jnp.dot(h2, as_ref[...], preferred_element_type=_f32)
    ald_ref[...] = jnp.dot(h2, ad_ref[...], preferred_element_type=_f32)


def _tc_mid_stage(acc, P, S, b, g, be, W, As, Ad, wp, win, wout):
    ssum, ssq = _tc_stats_stage(acc, P, S, b, wp, win)
    return pl.pallas_call(
        _tc_mid_kernel,
        grid=(_NB,),
        in_specs=[
            pl.BlockSpec((2, _RB, wp), lambda i: (0, i, 0)),
            pl.BlockSpec((wp, win), lambda i: (0, 0)),
            pl.BlockSpec((wp, win), lambda i: (0, 0)),
            pl.BlockSpec((1, win), lambda i: (0, 0)),
            pl.BlockSpec((1, win), lambda i: (0, 0)),
            pl.BlockSpec((1, win), lambda i: (0, 0)),
            pl.BlockSpec((win, wout), lambda i: (0, 0)),
            pl.BlockSpec((wout, 16), lambda i: (0, 0)),
            pl.BlockSpec((wout, 16), lambda i: (0, 0)),
            pl.BlockSpec((1, win), lambda i: (0, 0)),
            pl.BlockSpec((1, win), lambda i: (0, 0)),
        ],
        out_specs=[
            pl.BlockSpec((_RB, wout), lambda i: (i, 0)),
            pl.BlockSpec((_RB, 16), lambda i: (i, 0)),
            pl.BlockSpec((_RB, 16), lambda i: (i, 0)),
        ],
        out_shape=[
            jax.ShapeDtypeStruct((N, wout), _f32),
            jax.ShapeDtypeStruct((N, 16), _f32),
            jax.ShapeDtypeStruct((N, 16), _f32),
        ],
    )(acc, P, S, b, g, be, W, As, Ad, ssum, ssq)


def _tc_out_kernel(acc_ref, p_ref, s_ref, b_ref, g_ref, be_ref, w_ref,
                   ssum_ref, ssq_ref, p1_ref, p2_ref):
    accsum = acc_ref[0] + acc_ref[1]
    o = jnp.dot(accsum, p_ref[...], preferred_element_type=_f32)
    dn = jnp.dot(accsum, s_ref[...], preferred_element_type=_f32)
    o = o / (dn + 1e-16) + b_ref[...]
    mu = ssum_ref[...] / N
    var = ssq_ref[...] / N - mu * mu
    xn = (o - mu) * lax.rsqrt(jnp.abs(var) + 1e-5) * g_ref[...] + be_ref[...]
    z = jnp.where(xn > 0, xn, jnp.exp(xn) - 1.0)
    p1_ref[...] = jnp.dot(z, w_ref[0:DOUT, :], preferred_element_type=_f32)
    p2_ref[...] = jnp.dot(z, w_ref[DOUT:2 * DOUT, :],
                          preferred_element_type=_f32)


def _tc_out_stage(acc, P, S, b, g, be, Wh1, wp):
    ssum, ssq = _tc_stats_stage(acc, P, S, b, wp, DOUT)
    return pl.pallas_call(
        _tc_out_kernel,
        grid=(_NB,),
        in_specs=[
            pl.BlockSpec((2, _RB, wp), lambda i: (0, i, 0)),
            pl.BlockSpec((wp, DOUT), lambda i: (0, 0)),
            pl.BlockSpec((wp, DOUT), lambda i: (0, 0)),
            pl.BlockSpec((1, DOUT), lambda i: (0, 0)),
            pl.BlockSpec((1, DOUT), lambda i: (0, 0)),
            pl.BlockSpec((1, DOUT), lambda i: (0, 0)),
            pl.BlockSpec((2 * DOUT, DOUT), lambda i: (0, 0)),
            pl.BlockSpec((1, DOUT), lambda i: (0, 0)),
            pl.BlockSpec((1, DOUT), lambda i: (0, 0)),
        ],
        out_specs=[
            pl.BlockSpec((_RB, DOUT), lambda i: (i, 0)),
            pl.BlockSpec((_RB, DOUT), lambda i: (i, 0)),
        ],
        out_shape=[
            jax.ShapeDtypeStruct((N, DOUT), _f32),
            jax.ShapeDtypeStruct((N, DOUT), _f32),
        ],
    )(acc, P, S, b, g, be, Wh1, ssum, ssq)



def _edge_stage(hfeat, alS, alD, s_arr, d_arr, zacc, width, heads):
    wp = width + 16
    nvr = width // 16
    hdw = width // heads
    mesh = plsc.VectorSubcoreMesh(core_axis_name="c", subcore_axis_name="s")

    @functools.partial(
        pl.kernel,
        out_type=jax.ShapeDtypeStruct((NC, N, wp), _f32),
        mesh=mesh,
        compiler_params=pltpu.CompilerParams(use_tc_tiling_on_sc=False),
        scratch_types=[
            pltpu.VMEM_SHARED((N, wp), _f32),
            pltpu.VMEM((KE,), _i32),
            pltpu.VMEM((KE,), _i32),
            pltpu.VMEM((KE, 16), _f32),
            pltpu.VMEM((KE, 16), _f32),
            pltpu.VMEM((KE, width), _f32),
            pltpu.VMEM((KE, wp), _f32),
            pltpu.SemaphoreType.DMA,
        ],
    )
    def k(h_hbm, als_hbm, ald_hbm, s_hbm, d_hbm, za_hbm, acc_out,
          accS, sbuf, dbuf, albuf, adbuf, hbuf, msgbuf, sem):
        cid = lax.axis_index("c")
        sid = lax.axis_index("s")
        g = cid * NS + sid
        r0 = sid * RPT
        pltpu.sync_copy(za_hbm.at[pl.ds(r0, RPT)], accS.at[pl.ds(r0, RPT)])

        @pl.when(sid == 0)
        def _():
            pltpu.sync_copy(za_hbm.at[pl.ds(RTAIL0, RTAIL)],
                            accS.at[pl.ds(RTAIL0, RTAIL)])

        plsc.subcore_barrier()
        iot = lax.iota(_i32, 16)

        def chunk(ci, carry):
            base = g * EPT + ci * KE
            pltpu.sync_copy(s_hbm.at[pl.ds(base, KE)], sbuf)
            pltpu.sync_copy(d_hbm.at[pl.ds(base, KE)], dbuf)
            pltpu.async_copy(als_hbm.at[sbuf], albuf, sem).wait()
            pltpu.async_copy(ald_hbm.at[dbuf], adbuf, sem).wait()
            pltpu.async_copy(h_hbm.at[sbuf], hbuf, sem).wait()

            def edge(e, c2):
                av = albuf[e, pl.ds(0, 16)]
                bv = adbuf[e, pl.ds(0, 16)]
                es = av + bv
                es = jnp.where(es >= 0, es, 0.2 * es)
                exv = jnp.exp(es)
                msgbuf[e, pl.ds(width, 16)] = jnp.where(
                    iot < heads, exv, jnp.zeros((16,), _f32))
                for v in range(nvr):
                    spl = jnp.broadcast_to(exv[(v * 16) // hdw], (16,))
                    msgbuf[e, pl.ds(v * 16, 16)] = (
                        hbuf[e, pl.ds(v * 16, 16)] * spl)
                return c2

            lax.fori_loop(0, KE, edge, 0)
            pltpu.sync_copy(msgbuf, accS.at[dbuf], add=True)
            return carry

        lax.fori_loop(0, NCH, chunk, 0)
        plsc.subcore_barrier()
        pltpu.sync_copy(accS.at[pl.ds(r0, RPT)],
                        acc_out.at[cid, pl.ds(r0, RPT)])

        @pl.when(sid == 0)
        def _():
            pltpu.sync_copy(accS.at[pl.ds(RTAIL0, RTAIL)],
                            acc_out.at[cid, pl.ds(RTAIL0, RTAIL)])

    return k(hfeat, alS, alD, s_arr, d_arr, zacc)


def _pair_stage(p1, p2, srcv, dstv):
    mesh = plsc.VectorSubcoreMesh(core_axis_name="c", subcore_axis_name="s")

    @functools.partial(
        pl.kernel,
        out_type=jax.ShapeDtypeStruct((B, DOUT), _f32),
        mesh=mesh,
        compiler_params=pltpu.CompilerParams(use_tc_tiling_on_sc=False),
        scratch_types=[
            pltpu.VMEM((KP,), _i32),
            pltpu.VMEM((KP,), _i32),
            pltpu.VMEM((KP, DOUT), _f32),
            pltpu.VMEM((KP, DOUT), _f32),
            pltpu.SemaphoreType.DMA,
        ],
    )
    def k(p1_hbm, p2_hbm, s_hbm, d_hbm, out_hbm, sbuf, dbuf, q1, q2, sem):
        cid = lax.axis_index("c")
        sid = lax.axis_index("s")
        g = cid * NS + sid

        def chunk(ci, carry):
            off = g * BPT + ci * KP
            pltpu.sync_copy(s_hbm.at[pl.ds(off, KP)], sbuf)
            pltpu.sync_copy(d_hbm.at[pl.ds(off, KP)], dbuf)
            pltpu.async_copy(p1_hbm.at[sbuf], q1, sem).wait()
            pltpu.async_copy(p2_hbm.at[dbuf], q2, sem).wait()

            def edge(e, c2):
                for v in range(DOUT // 16):
                    sl = pl.ds(v * 16, 16)
                    q1[e, sl] = q1[e, sl] + q2[e, sl]
                return c2

            lax.fori_loop(0, KP, edge, 0)
            pltpu.sync_copy(q1, out_hbm.at[pl.ds(off, KP)])
            return carry

        lax.fori_loop(0, PCH, chunk, 0)

    return k(p1, p2, srcv, dstv)


def _tc_fin_kernel(u_ref, bh1_ref, w_ref, bh2_ref, out_ref):
    a = u_ref[...] + bh1_ref[...]
    u = jnp.where(a > 0, a, jnp.exp(a) - 1.0)
    t = jnp.dot(u, w_ref[...], preferred_element_type=_f32) + bh2_ref[...]
    out_ref[...] = 1.0 / (1.0 + jnp.exp(-t))


_PB = 2048
_NPB = B // _PB


def _tc_fin_stage(upair, bh1, Wh2, bh2):
    return pl.pallas_call(
        _tc_fin_kernel,
        grid=(_NPB,),
        in_specs=[
            pl.BlockSpec((_PB, DOUT), lambda i: (i, 0)),
            pl.BlockSpec((1, DOUT), lambda i: (0, 0)),
            pl.BlockSpec((DOUT, 1), lambda i: (0, 0)),
            pl.BlockSpec((1, 1), lambda i: (0, 0)),
        ],
        out_specs=pl.BlockSpec((_PB, 1), lambda i: (i, 0)),
        out_shape=jax.ShapeDtypeStruct((B, 1), _f32),
    )(upair, bh1, Wh2, bh2)





def kernel(x, ei, src, dst, W1, a_src1, a_dst1, b1, W2, a_src2, a_dst2, b2,
           g1, be1, g2, be2, Wh1, bh1, Wh2, bh2):
    s_arr = ei[0].astype(_i32)
    d_arr = ei[1].astype(_i32)

    eyeH = jnp.eye(H, dtype=_f32)
    pad8 = jnp.zeros((F1, 16 - H), _f32)
    ASs = jnp.concatenate(
        [(eyeH[:, None, :] * a_src1[:, :, None]).reshape(F1, H), pad8], 1)
    ASd = jnp.concatenate(
        [(eyeH[:, None, :] * a_dst1[:, :, None]).reshape(F1, H), pad8], 1)
    h0, alS1, alD1 = _tc_input_stage(x, W1, ASs, ASd)

    wp1 = F1 + 16
    wp2 = DOUT + 16
    zacc1 = jnp.zeros((N, wp1), _f32)
    zacc2 = jnp.zeros((N, wp2), _f32)
    acc1 = _edge_stage(h0, alS1, alD1, s_arr, d_arr, zacc1,
                       width=F1, heads=H)

    P1 = jnp.eye(wp1, F1, dtype=_f32)
    S1 = jnp.concatenate(
        [jnp.zeros((F1, F1), _f32),
         jnp.repeat(eyeH, HD, axis=1),
         jnp.zeros((wp1 - F1 - H, F1), _f32)], 0)
    A2pad = jnp.zeros((DOUT, 15), _f32)
    A2s = jnp.concatenate([a_src2.reshape(DOUT, 1), A2pad], 1)
    A2d = jnp.concatenate([a_dst2.reshape(DOUT, 1), A2pad], 1)
    h2p, alS2, alD2 = _tc_mid_stage(
        acc1, P1, S1, b1.reshape(1, F1), g1.reshape(1, F1),
        be1.reshape(1, F1), W2, A2s, A2d, wp1, F1, DOUT)

    acc2 = _edge_stage(h2p, alS2, alD2, s_arr, d_arr, zacc2,
                       width=DOUT, heads=1)

    P2 = jnp.eye(wp2, DOUT, dtype=_f32)
    S2 = jnp.concatenate(
        [jnp.zeros((DOUT, DOUT), _f32),
         jnp.ones((1, DOUT), _f32),
         jnp.zeros((wp2 - DOUT - 1, DOUT), _f32)], 0)
    p1v, p2v = _tc_out_stage(acc2, P2, S2, b2.reshape(1, DOUT),
                             g2.reshape(1, DOUT), be2.reshape(1, DOUT),
                             Wh1, wp2)

    upair = _pair_stage(p1v, p2v, src.astype(_i32), dst.astype(_i32))
    out = _tc_fin_stage(upair, bh1.reshape(1, DOUT), Wh2,
                        bh2.reshape(1, 1))
    return out.reshape(B)

# --- scband reference (transcript-rebuilt; emitter-appended) ---
"""Pipeline reference for scband-gatmodel-16518444221033 (READ-ONLY COPY).

The authoritative reference and input builder live on the scoring server;
editing this copy changes nothing except your own understanding.
"""

import jax, jax.numpy as jnp
import numpy as np

N, E, DIN, H, HD, DOUT, B = 10000, 320000, 128, 4, 32, 64, 65536


def _gat(x, ei, W, a_s, a_d, b, heads, hd, concat):
    n = x.shape[0]
    h = (x @ W).reshape(n, heads, hd)
    als = (h * a_s).sum(-1)
    ald = (h * a_d).sum(-1)
    s, d = ei[0], ei[1]
    e = jax.nn.leaky_relu(als[s] + ald[d], 0.2)
    m = jax.ops.segment_max(e, d, num_segments=n)
    ex = jnp.exp(e - m[d])
    den = jax.ops.segment_sum(ex, d, num_segments=n)
    alpha = ex / (den[d] + 1e-16)
    out = jax.ops.segment_sum(alpha[:, :, None] * h[s], d, num_segments=n)
    if concat:
        out = out.reshape(n, heads * hd)
    else:
        out = out.mean(axis=1)
    return out + b


def _bn(x, g, b):
    mu = x.mean(0)
    var = x.var(0)
    return (x - mu) / jnp.sqrt(var + 1e-5) * g + b


def setup_inputs(seed: int = 0):
    key = jax.random.key(seed)
    ks = jax.random.split(key, 20)
    w = lambda k, shape: jax.random.normal(k, shape, dtype=jnp.float32) * 0.05
    inp = {}
    inp["x"] = jax.random.normal(ks[0], (N, DIN), dtype=jnp.float32)
    inp["ei"] = jax.random.randint(ks[1], (2, E), 0, N)
    inp["src"] = jax.random.randint(ks[2], (B,), 0, N)
    inp["dst"] = jax.random.randint(ks[3], (B,), 0, N)
    inp["W1"] = w(ks[4], (DIN, H * HD))
    inp["a_src1"] = w(ks[5], (H, HD))
    inp["a_dst1"] = w(ks[6], (H, HD))
    inp["b1"] = jnp.zeros((H * HD,), jnp.float32)
    inp["W2"] = w(ks[7], (H * HD, DOUT))
    inp["a_src2"] = w(ks[8], (1, DOUT))
    inp["a_dst2"] = w(ks[9], (1, DOUT))
    inp["b2"] = jnp.zeros((DOUT,), jnp.float32)
    inp["g1"] = jnp.ones((H * HD,), jnp.float32)
    inp["be1"] = jnp.zeros((H * HD,), jnp.float32)
    inp["g2"] = jnp.ones((DOUT,), jnp.float32)
    inp["be2"] = jnp.zeros((DOUT,), jnp.float32)
    inp["Wh1"] = w(ks[10], (2 * DOUT, DOUT))
    inp["bh1"] = jnp.zeros((DOUT,), jnp.float32)
    inp["Wh2"] = w(ks[11], (DOUT, 1))
    inp["bh2"] = jnp.zeros((1,), jnp.float32)
    return inp


def reference(x, ei, src, dst, W1, a_src1, a_dst1, b1, W2, a_src2, a_dst2, b2, g1, be1, g2, be2, Wh1, bh1, Wh2, bh2):
    h = _gat(x, ei, W1, a_src1, a_dst1, b1, H, HD, True)
    h = jax.nn.elu(_bn(h, g1, be1))
    z = _gat(h, ei, W2, a_src2, a_dst2, b2, 1, DOUT, False)
    z = jax.nn.elu(_bn(z, g2, be2))
    pair = jnp.concatenate([z[src], z[dst]], axis=1)
    u = jax.nn.elu(pair @ Wh1 + bh1)
    out = jax.nn.sigmoid(u @ Wh2 + bh2)
    return out.squeeze(-1)

if __name__ == "__main__":
    import jax
    _d = setup_inputs()
    print(jax.jit(kernel)(*tuple(_d.values())))

</pallas_src>

<mosaic_0001>
#map = affine_map<(d0, d1) -> (0, 0)>
#map1 = affine_map<(d0, d1) -> (0)>
#map2 = affine_map<(d0, d1) -> (0, 0, 0)>
module attributes {stable_mosaic.version = 14 : i64} {
  func.func @k(%arg0: i32, %arg1: i32, %arg2: memref<10000x128xf32, #tpu.memory_space<hbm>>, %arg3: memref<10000x16xf32, #tpu.memory_space<hbm>>, %arg4: memref<10000x16xf32, #tpu.memory_space<hbm>>, %arg5: memref<320000xi32, #tpu.memory_space<hbm>>, %arg6: memref<320000xi32, #tpu.memory_space<hbm>>, %arg7: memref<10000x144xf32, #tpu.memory_space<hbm>>, %arg8: memref<2x10000x144xf32, #tpu.memory_space<hbm>>, %arg9: memref<10000x144xf32, #tpu.memory_space<vmem_shared>>, %arg10: memref<80xi32, #tpu.memory_space<vmem>>, %arg11: memref<80xi32, #tpu.memory_space<vmem>>, %arg12: memref<80x16xf32, #tpu.memory_space<vmem>>, %arg13: memref<80x16xf32, #tpu.memory_space<vmem>>, %arg14: memref<80x128xf32, #tpu.memory_space<vmem>>, %arg15: memref<80x144xf32, #tpu.memory_space<vmem>>, %arg16: memref<!tpu.dma_semaphore, #tpu.memory_space<semaphore_mem>>) attributes {dimension_semantics = [#tpu.dimension_semantics<core_parallel>, #tpu.dimension_semantics<subcore_parallel>], iteration_bounds = array<i64: 2, 16>, scalar_prefetch = 0 : i64, scratch_operands = 8 : i64, tpu.core_type = #tpu.core_type<sc_vector_subcore>, window_params = [{transform_indices = #map}, {transform_indices = #map}, {transform_indices = #map}, {transform_indices = #map1}, {transform_indices = #map1}, {transform_indices = #map}, {transform_indices = #map2}]} {
    %mul3A = arith.constant 16 : i32
    %mul3A_0 = arith.muli %arg0, %mul3A : i32
    %add3A = arith.addi %mul3A_0, %arg1 : i32
    %mul3A_1 = arith.constant 624 : i32
    %mul3A_2 = arith.muli %arg1, %mul3A_1 : i32
    "tpu.region"() ({
      %run_scoped3A = tpu.sem_alloc : memref<!tpu.dma_semaphore, #tpu.memory_space<semaphore_mem>>
      %dma_start3A = arith.constant 0 : i32
      %dma_start3A_16 = tpu.memref_slice %arg9[%mul3A_2, %dma_start3A] : memref<10000x144xf32, #tpu.memory_space<vmem_shared>> -> memref<624x144xf32, #tpu.memory_space<vmem_shared>>
      %dma_start3A_17 = arith.constant 0 : i32
      %dma_start3A_18 = tpu.memref_slice %arg7[%mul3A_2, %dma_start3A_17] : memref<10000x144xf32, #tpu.memory_space<hbm>> -> memref<624x144xf32, #tpu.memory_space<hbm>>
      tpu.enqueue_dma source(%dma_start3A_18 : memref<624x144xf32, #tpu.memory_space<hbm>>) target(%dma_start3A_16 : memref<624x144xf32, #tpu.memory_space<vmem_shared>>) target_semaphore(%run_scoped3A : memref<!tpu.dma_semaphore, #tpu.memory_space<semaphore_mem>>)
      %dma_wait3A = arith.constant 0 : i32
      %dma_wait3A_19 = tpu.memref_slice %arg9[%mul3A_2, %dma_wait3A] : memref<10000x144xf32, #tpu.memory_space<vmem_shared>> -> memref<624x144xf32, #tpu.memory_space<vmem_shared>>
      %dma_wait3A_20 = arith.constant 0 : i32
      %dma_wait3A_21 = tpu.memref_slice %arg7[%mul3A_2, %dma_wait3A_20] : memref<10000x144xf32, #tpu.memory_space<hbm>> -> memref<624x144xf32, #tpu.memory_space<hbm>>
      tpu.wait_dma2 semaphore(%run_scoped3A : memref<!tpu.dma_semaphore, #tpu.memory_space<semaphore_mem>>) src(%dma_wait3A_21 : memref<624x144xf32, #tpu.memory_space<hbm>>) dst(%dma_wait3A_19 : memref<624x144xf32, #tpu.memory_space<vmem_shared>>)
      tpu.yield
    }) : () -> ()
    %eq3A = arith.constant 0 : i32
    %eq3A_3 = arith.cmpi eq, %arg1, %eq3A : i32
    %convert_element_type3A = arith.extui %eq3A_3 : i1 to i32
    %cond3A = arith.constant 0 : i32
    %cond3A_4 = arith.cmpi ne, %convert_element_type3A, %cond3A : i32
    scf.if %cond3A_4 {
      "tpu.region"() ({
        %run_scoped3A = tpu.sem_alloc : memref<!tpu.dma_semaphore, #tpu.memory_space<semaphore_mem>>
        %dma_start3A = arith.constant 9984 : i32
        %dma_start3A_16 = arith.constant 0 : i32
        %dma_start3A_17 = tpu.memref_slice %arg9[%dma_start3A, %dma_start3A_16] : memref<10000x144xf32, #tpu.memory_space<vmem_shared>> -> memref<16x144xf32, #tpu.memory_space<vmem_shared>>
        %dma_start3A_18 = arith.constant 9984 : i32
        %dma_start3A_19 = arith.constant 0 : i32
        %dma_start3A_20 = tpu.memref_slice %arg7[%dma_start3A_18, %dma_start3A_19] : memref<10000x144xf32, #tpu.memory_space<hbm>> -> memref<16x144xf32, #tpu.memory_space<hbm>>
        tpu.enqueue_dma source(%dma_start3A_20 : memref<16x144xf32, #tpu.memory_space<hbm>>) target(%dma_start3A_17 : memref<16x144xf32, #tpu.memory_space<vmem_shared>>) target_semaphore(%run_scoped3A : memref<!tpu.dma_semaphore, #tpu.memory_space<semaphore_mem>>)
        %dma_wait3A = arith.constant 9984 : i32
        %dma_wait3A_21 = arith.constant 0 : i32
        %dma_wait3A_22 = tpu.memref_slice %arg9[%dma_wait3A, %dma_wait3A_21] : memref<10000x144xf32, #tpu.memory_space<vmem_shared>> -> memref<16x144xf32, #tpu.memory_space<vmem_shared>>
        %dma_wait3A_23 = arith.constant 9984 : i32
        %dma_wait3A_24 = arith.constant 0 : i32
        %dma_wait3A_25 = tpu.memref_slice %arg7[%dma_wait3A_23, %dma_wait3A_24] : memref<10000x144xf32, #tpu.memory_space<hbm>> -> memref<16x144xf32, #tpu.memory_space<hbm>>
        tpu.wait_dma2 semaphore(%run_scoped3A : memref<!tpu.dma_semaphore, #tpu.memory_space<semaphore_mem>>) src(%dma_wait3A_25 : memref<16x144xf32, #tpu.memory_space<hbm>>) dst(%dma_wait3A_22 : memref<16x144xf32, #tpu.memory_space<vmem_shared>>)
        tpu.yield
      }) : () -> ()
    } else {
    }
    %barrier3A = arith.constant 0 : index
    tpu.barrier barrier_id(%barrier3A)
    %iota3A = tpu.iota {dimensions = array<i32: 0>} : vector<16xi32>
    %scan3A = arith.constant 0 : i32
    %scan3A_5 = arith.constant 0 : i32
    %scan3A_6 = arith.constant 125 : i32
    %scan3A_7 = arith.addi %scan3A_5, %scan3A_6 : i32
    %scan3A_8 = arith.constant 1 : i32
    scf.for %scan3A_16 = %scan3A_5 to %scan3A_7 step %scan3A_8  : i32 {
      %mul3A_17 = arith.constant 10000 : i32
      %mul3A_18 = arith.muli %add3A, %mul3A_17 : i32
      %mul3A_19 = arith.constant 80 : i32
      %mul3A_20 = arith.muli %scan3A_16, %mul3A_19 : i32
      %add3A_21 = arith.addi %mul3A_18, %mul3A_20 : i32
      "tpu.region"() ({
        %run_scoped3A = tpu.sem_alloc : memref<!tpu.dma_semaphore, #tpu.memory_space<semaphore_mem>>
        %dma_start3A_44 = tpu.memref_slice %arg5[%add3A_21] : memref<320000xi32, #tpu.memory_space<hbm>> -> memref<80xi32, #tpu.memory_space<hbm>>
        %dma_start3A_45 = tpu.memref_slice %arg5[%add3A_21] : memref<320000xi32, #tpu.memory_space<hbm>> -> memref<80xi32, #tpu.memory_space<hbm>>
        tpu.enqueue_dma source(%dma_start3A_45 : memref<80xi32, #tpu.memory_space<hbm>>) target(%arg10 : memref<80xi32, #tpu.memory_space<vmem>>) target_semaphore(%run_scoped3A : memref<!tpu.dma_semaphore, #tpu.memory_space<semaphore_mem>>)
        %dma_wait3A_46 = tpu.memref_slice %arg5[%add3A_21] : memref<320000xi32, #tpu.memory_space<hbm>> -> memref<80xi32, #tpu.memory_space<hbm>>
        %dma_wait3A_47 = tpu.memref_slice %arg5[%add3A_21] : memref<320000xi32, #tpu.memory_space<hbm>> -> memref<80xi32, #tpu.memory_space<hbm>>
        tpu.wait_dma2 semaphore(%run_scoped3A : memref<!tpu.dma_semaphore, #tpu.memory_space<semaphore_mem>>) src(%dma_wait3A_47 : memref<80xi32, #tpu.memory_space<hbm>>) dst(%arg10 : memref<80xi32, #tpu.memory_space<vmem>>)
        tpu.yield
      }) : () -> ()
      "tpu.region"() ({
        %run_scoped3A = tpu.sem_alloc : memref<!tpu.dma_semaphore, #tpu.memory_space<semaphore_mem>>
        %dma_start3A_44 = tpu.memref_slice %arg6[%add3A_21] : memref<320000xi32, #tpu.memory_space<hbm>> -> memref<80xi32, #tpu.memory_space<hbm>>
        %dma_start3A_45 = tpu.memref_slice %arg6[%add3A_21] : memref<320000xi32, #tpu.memory_space<hbm>> -> memref<80xi32, #tpu.memory_space<hbm>>
        tpu.enqueue_dma source(%dma_start3A_45 : memref<80xi32, #tpu.memory_space<hbm>>) target(%arg11 : memref<80xi32, #tpu.memory_space<vmem>>) target_semaphore(%run_scoped3A : memref<!tpu.dma_semaphore, #tpu.memory_space<semaphore_mem>>)
        %dma_wait3A_46 = tpu.memref_slice %arg6[%add3A_21] : memref<320000xi32, #tpu.memory_space<hbm>> -> memref<80xi32, #tpu.memory_space<hbm>>
        %dma_wait3A_47 = tpu.memref_slice %arg6[%add3A_21] : memref<320000xi32, #tpu.memory_space<hbm>> -> memref<80xi32, #tpu.memory_space<hbm>>
        tpu.wait_dma2 semaphore(%run_scoped3A : memref<!tpu.dma_semaphore, #tpu.memory_space<semaphore_mem>>) src(%dma_wait3A_47 : memref<80xi32, #tpu.memory_space<hbm>>) dst(%arg11 : memref<80xi32, #tpu.memory_space<vmem>>)
        tpu.yield
      }) : () -> ()
      %dma_start3A = arith.constant 0 : i32
      %dma_start3A_22 = arith.constant 0 : i32
      %dma_start3A_23 = tpu.memref_slice %arg3[%dma_start3A, %dma_start3A_22] : memref<10000x16xf32, #tpu.memory_space<hbm>> -> memref<10000x16xf32, #tpu.memory_space<hbm>>
      tpu.enqueue_indirect_dma source(%dma_start3A_23 : memref<10000x16xf32, #tpu.memory_space<hbm>>) target(%arg12 : memref<80x16xf32, #tpu.memory_space<vmem>>) offsets(%arg10 : memref<80xi32, #tpu.memory_space<vmem>>) semaphore(%arg16 : memref<!tpu.dma_semaphore, #tpu.memory_space<semaphore_mem>>)
      %dma_wait3A = arith.constant 0 : i32
      %dma_wait3A_24 = arith.constant 0 : i32
      %dma_wait3A_25 = tpu.memref_slice %arg3[%dma_wait3A, %dma_wait3A_24] : memref<10000x16xf32, #tpu.memory_space<hbm>> -> memref<10000x16xf32, #tpu.memory_space<hbm>>
      tpu.wait_indirect_dma semaphore(%arg16 : memref<!tpu.dma_semaphore, #tpu.memory_space<semaphore_mem>>) src(%dma_wait3A_25 : memref<10000x16xf32, #tpu.memory_space<hbm>>) dst(%arg12 : memref<80x16xf32, #tpu.memory_space<vmem>>)
      %dma_start3A_26 = arith.constant 0 : i32
      %dma_start3A_27 = arith.constant 0 : i32
      %dma_start3A_28 = tpu.memref_slice %arg4[%dma_start3A_26, %dma_start3A_27] : memref<10000x16xf32, #tpu.memory_space<hbm>> -> memref<10000x16xf32, #tpu.memory_space<hbm>>
      tpu.enqueue_indirect_dma source(%dma_start3A_28 : memref<10000x16xf32, #tpu.memory_space<hbm>>) target(%arg13 : memref<80x16xf32, #tpu.memory_space<vmem>>) offsets(%arg11 : memref<80xi32, #tpu.memory_space<vmem>>) semaphore(%arg16 : memref<!tpu.dma_semaphore, #tpu.memory_space<semaphore_mem>>)
      %dma_wait3A_29 = arith.constant 0 : i32
      %dma_wait3A_30 = arith.constant 0 : i32
      %dma_wait3A_31 = tpu.memref_slice %arg4[%dma_wait3A_29, %dma_wait3A_30] : memref<10000x16xf32, #tpu.memory_space<hbm>> -> memref<10000x16xf32, #tpu.memory_space<hbm>>
      tpu.wait_indirect_dma semaphore(%arg16 : memref<!tpu.dma_semaphore, #tpu.memory_space<semaphore_mem>>) src(%dma_wait3A_31 : memref<10000x16xf32, #tpu.memory_space<hbm>>) dst(%arg13 : memref<80x16xf32, #tpu.memory_space<vmem>>)
      %dma_start3A_32 = arith.constant 0 : i32
      %dma_start3A_33 = arith.constant 0 : i32
      %dma_start3A_34 = tpu.memref_slice %arg2[%dma_start3A_32, %dma_start3A_33] : memref<10000x128xf32, #tpu.memory_space<hbm>> -> memref<10000x128xf32, #tpu.memory_space<hbm>>
      tpu.enqueue_indirect_dma source(%dma_start3A_34 : memref<10000x128xf32, #tpu.memory_space<hbm>>) target(%arg14 : memref<80x128xf32, #tpu.memory_space<vmem>>) offsets(%arg10 : memref<80xi32, #tpu.memory_space<vmem>>) semaphore(%arg16 : memref<!tpu.dma_semaphore, #tpu.memory_space<semaphore_mem>>)
      %dma_wait3A_35 = arith.constant 0 : i32
      %dma_wait3A_36 = arith.constant 0 : i32
      %dma_wait3A_37 = tpu.memref_slice %arg2[%dma_wait3A_35, %dma_wait3A_36] : memref<10000x128xf32, #tpu.memory_space<hbm>> -> memref<10000x128xf32, #tpu.memory_space<hbm>>
      tpu.wait_indirect_dma semaphore(%arg16 : memref<!tpu.dma_semaphore, #tpu.memory_space<semaphore_mem>>) src(%dma_wait3A_37 : memref<10000x128xf32, #tpu.memory_space<hbm>>) dst(%arg14 : memref<80x128xf32, #tpu.memory_space<vmem>>)
      %scan3A_38 = arith.constant 0 : i32
      %scan3A_39 = arith.constant 0 : i32
      %scan3A_40 = arith.constant 80 : i32
      %scan3A_41 = arith.addi %scan3A_39, %scan3A_40 : i32
      %scan3A_42 = arith.constant 1 : i32
      scf.for %scan3A_44 = %scan3A_39 to %scan3A_41 step %scan3A_42  : i32 {
        %get3A = arith.index_cast %scan3A_44 : i32 to index
        %get3A_45 = arith.constant 0 : index
        %get3A_46 = tpu.vector_load %arg12[%get3A, %get3A_45] {strides = array<i32>} : memref<80x16xf32, #tpu.memory_space<vmem>>, vector<1x16xf32>,
        %get3A_47 = vector.shape_cast %get3A_46 : vector<1x16xf32> to vector<16xf32>
        %get3A_48 = arith.index_cast %scan3A_44 : i32 to index
        %get3A_49 = arith.constant 0 : index
        %get3A_50 = tpu.vector_load %arg13[%get3A_48, %get3A_49] {strides = array<i32>} : memref<80x16xf32, #tpu.memory_space<vmem>>, vector<1x16xf32>,
        %get3A_51 = vector.shape_cast %get3A_50 : vector<1x16xf32> to vector<16xf32>
        %add3A_52 = arith.addf %get3A_47, %get3A_51 : vector<16xf32>
        %ge3A = arith.constant 0.000000e+00 : f32
        %ge3A_53 = vector.broadcast %ge3A : f32 to vector<16xf32>
        %ge3A_54 = arith.cmpf oge, %add3A_52, %ge3A_53 : vector<16xf32>
        %mul3A_55 = arith.constant 2.000000e-01 : f32
        %mul3A_56 = vector.broadcast %mul3A_55 : f32 to vector<16xf32>
        %mul3A_57 = arith.mulf %mul3A_56, %add3A_52 : vector<16xf32>
        %select_n3A = arith.select %ge3A_54, %add3A_52, %mul3A_57 : vector<16xi1>, vector<16xf32>
        %exp3A = math.exp %select_n3A : vector<16xf32>
        %lt3A = arith.constant 4 : i32
        %lt3A_58 = vector.broadcast %lt3A : i32 to vector<16xi32>
        %lt3A_59 = arith.cmpi slt, %iota3A, %lt3A_58 : vector<16xi32>
        %broadcast_in_dim3A = arith.constant 0.000000e+00 : f32
        %broadcast_in_dim3A_60 = vector.broadcast %broadcast_in_dim3A : f32 to vector<16xf32>
        %select_n3A_61 = arith.select %lt3A_59, %exp3A, %broadcast_in_dim3A_60 : vector<16xi1>, vector<16xf32>
        %swap3A = arith.index_cast %scan3A_44 : i32 to index
        %swap3A_62 = arith.constant 128 : index
        %swap3A_63 = tpu.vector_load %arg15[%swap3A, %swap3A_62] {strides = array<i32>} : memref<80x144xf32, #tpu.memory_space<vmem>>, vector<1x16xf32>,
        %swap3A_64 = vector.shape_cast %swap3A_63 : vector<1x16xf32> to vector<16xf32>
        %swap3A_65 = vector.shape_cast %select_n3A_61 : vector<16xf32> to vector<1x16xf32>
        tpu.vector_store %arg15[%swap3A, %swap3A_62], %swap3A_65 {strides = array<i32>} : memref<80x144xf32, #tpu.memory_space<vmem>>, vector<1x16xf32>,
        %slice3A = vector.extract_strided_slice %exp3A {offsets = [0], sizes = [1], strides = [1]} : vector<16xf32> to vector<1xf32>
        %squeeze3A = vector.extract %slice3A[0] : f32 from vector<1xf32>
        %broadcast_in_dim3A_66 = vector.broadcast %squeeze3A : f32 to vector<16xf32>
        %get3A_67 = arith.index_cast %scan3A_44 : i32 to index
        %get3A_68 = arith.constant 0 : index
        %get3A_69 = tpu.vector_load %arg14[%get3A_67, %get3A_68] {strides = array<i32>} : memref<80x128xf32, #tpu.memory_space<vmem>>, vector<1x16xf32>,
        %get3A_70 = vector.shape_cast %get3A_69 : vector<1x16xf32> to vector<16xf32>
        %mul3A_71 = arith.mulf %get3A_70, %broadcast_in_dim3A_66 : vector<16xf32>
        %swap3A_72 = arith.index_cast %scan3A_44 : i32 to index
        %swap3A_73 = arith.constant 0 : index
        %swap3A_74 = tpu.vector_load %arg15[%swap3A_72, %swap3A_73] {strides = array<i32>} : memref<80x144xf32, #tpu.memory_space<vmem>>, vector<1x16xf32>,
        %swap3A_75 = vector.shape_cast %swap3A_74 : vector<1x16xf32> to vector<16xf32>
        %swap3A_76 = vector.shape_cast %mul3A_71 : vector<16xf32> to vector<1x16xf32>
        tpu.vector_store %arg15[%swap3A_72, %swap3A_73], %swap3A_76 {strides = array<i32>} : memref<80x144xf32, #tpu.memory_space<vmem>>, vector<1x16xf32>,
        %slice3A_77 = vector.extract_strided_slice %exp3A {offsets = [0], sizes = [1], strides = [1]} : vector<16xf32> to vector<1xf32>
        %squeeze3A_78 = vector.extract %slice3A_77[0] : f32 from vector<1xf32>
        %broadcast_in_dim3A_79 = vector.broadcast %squeeze3A_78 : f32 to vector<16xf32>
        %get3A_80 = arith.index_cast %scan3A_44 : i32 to index
        %get3A_81 = arith.constant 16 : index
        %get3A_82 = tpu.vector_load %arg14[%get3A_80, %get3A_81] {strides = array<i32>} : memref<80x128xf32, #tpu.memory_space<vmem>>, vector<1x16xf32>,
        %get3A_83 = vector.shape_cast %get3A_82 : vector<1x16xf32> to vector<16xf32>
        %mul3A_84 = arith.mulf %get3A_83, %broadcast_in_dim3A_79 : vector<16xf32>
        %swap3A_85 = arith.index_cast %scan3A_44 : i32 to index
        %swap3A_86 = arith.constant 16 : index
        %swap3A_87 = tpu.vector_load %arg15[%swap3A_85, %swap3A_86] {strides = array<i32>} : memref<80x144xf32, #tpu.memory_space<vmem>>, vector<1x16xf32>,
        %swap3A_88 = vector.shape_cast %swap3A_87 : vector<1x16xf32> to vector<16xf32>
        %swap3A_89 = vector.shape_cast %mul3A_84 : vector<16xf32> to vector<1x16xf32>
        tpu.vector_store %arg15[%swap3A_85, %swap3A_86], %swap3A_89 {strides = array<i32>} : memref<80x144xf32, #tpu.memory_space<vmem>>, vector<1x16xf32>,
        %slice3A_90 = vector.extract_strided_slice %exp3A {offsets = [1], sizes = [1], strides = [1]} : vector<16xf32> to vector<1xf32>
        %squeeze3A_91 = vector.extract %slice3A_90[0] : f32 from vector<1xf32>
        %broadcast_in_dim3A_92 = vector.broadcast %squeeze3A_91 : f32 to vector<16xf32>
        %get3A_93 = arith.index_cast %scan3A_44 : i32 to index
        %get3A_94 = arith.constant 32 : index
        %get3A_95 = tpu.vector_load %arg14[%get3A_93, %get3A_94] {strides = array<i32>} : memref<80x128xf32, #tpu.memory_space<vmem>>, vector<1x16xf32>,
        %get3A_96 = vector.shape_cast %get3A_95 : vector<1x16xf32> to vector<16xf32>
        %mul3A_97 = arith.mulf %get3A_96, %broadcast_in_dim3A_92 : vector<16xf32>
        %swap3A_98 = arith.index_cast %scan3A_44 : i32 to index
        %swap3A_99 = arith.constant 32 : index
        %swap3A_100 = tpu.vector_load %arg15[%swap3A_98, %swap3A_99] {strides = array<i32>} : memref<80x144xf32, #tpu.memory_space<vmem>>, vector<1x16xf32>,
        %swap3A_101 = vector.shape_cast %swap3A_100 : vector<1x16xf32> to vector<16xf32>
        %swap3A_102 = vector.shape_cast %mul3A_97 : vector<16xf32> to vector<1x16xf32>
        tpu.vector_store %arg15[%swap3A_98, %swap3A_99], %swap3A_102 {strides = array<i32>} : memref<80x144xf32, #tpu.memory_space<vmem>>, vector<1x16xf32>,
        %slice3A_103 = vector.extract_strided_slice %exp3A {offsets = [1], sizes = [1], strides = [1]} : vector<16xf32> to vector<1xf32>
        %squeeze3A_104 = vector.extract %slice3A_103[0] : f32 from vector<1xf32>
        %broadcast_in_dim3A_105 = vector.broadcast %squeeze3A_104 : f32 to vector<16xf32>
        %get3A_106 = arith.index_cast %scan3A_44 : i32 to index
        %get3A_107 = arith.constant 48 : index
        %get3A_108 = tpu.vector_load %arg14[%get3A_106, %get3A_107] {strides = array<i32>} : memref<80x128xf32, #tpu.memory_space<vmem>>, vector<1x16xf32>,
        %get3A_109 = vector.shape_cast %get3A_108 : vector<1x16xf32> to vector<16xf32>
        %mul3A_110 = arith.mulf %get3A_109, %broadcast_in_dim3A_105 : vector<16xf32>
        %swap3A_111 = arith.index_cast %scan3A_44 : i32 to index
        %swap3A_112 = arith.constant 48 : index
        %swap3A_113 = tpu.vector_load %arg15[%swap3A_111, %swap3A_112] {strides = array<i32>} : memref<80x144xf32, #tpu.memory_space<vmem>>, vector<1x16xf32>,
        %swap3A_114 = vector.shape_cast %swap3A_113 : vector<1x16xf32> to vector<16xf32>
        %swap3A_115 = vector.shape_cast %mul3A_110 : vector<16xf32> to vector<1x16xf32>
        tpu.vector_store %arg15[%swap3A_111, %swap3A_112], %swap3A_115 {strides = array<i32>} : memref<80x144xf32, #tpu.memory_space<vmem>>, vector<1x16xf32>,
        %slice3A_116 = vector.extract_strided_slice %exp3A {offsets = [2], sizes = [1], strides = [1]} : vector<16xf32> to vector<1xf32>
        %squeeze3A_117 = vector.extract %slice3A_116[0] : f32 from vector<1xf32>
        %broadcast_in_dim3A_118 = vector.broadcast %squeeze3A_117 : f32 to vector<16xf32>
        %get3A_119 = arith.index_cast %scan3A_44 : i32 to index
        %get3A_120 = arith.constant 64 : index
        %get3A_121 = tpu.vector_load %arg14[%get3A_119, %get3A_120] {strides = array<i32>} : memref<80x128xf32, #tpu.memory_space<vmem>>, vector<1x16xf32>,
        %get3A_122 = vector.shape_cast %get3A_121 : vector<1x16xf32> to vector<16xf32>
        %mul3A_123 = arith.mulf %get3A_122, %broadcast_in_dim3A_118 : vector<16xf32>
        %swap3A_124 = arith.index_cast %scan3A_44 : i32 to index
        %swap3A_125 = arith.constant 64 : index
        %swap3A_126 = tpu.vector_load %arg15[%swap3A_124, %swap3A_125] {strides = array<i32>} : memref<80x144xf32, #tpu.memory_space<vmem>>, vector<1x16xf32>,
        %swap3A_127 = vector.shape_cast %swap3A_126 : vector<1x16xf32> to vector<16xf32>
        %swap3A_128 = vector.shape_cast %mul3A_123 : vector<16xf32> to vector<1x16xf32>
        tpu.vector_store %arg15[%swap3A_124, %swap3A_125], %swap3A_128 {strides = array<i32>} : memref<80x144xf32, #tpu.memory_space<vmem>>, vector<1x16xf32>,
        %slice3A_129 = vector.extract_strided_slice %exp3A {offsets = [2], sizes = [1], strides = [1]} : vector<16xf32> to vector<1xf32>
        %squeeze3A_130 = vector.extract %slice3A_129[0] : f32 from vector<1xf32>
        %broadcast_in_dim3A_131 = vector.broadcast %squeeze3A_130 : f32 to vector<16xf32>
        %get3A_132 = arith.index_cast %scan3A_44 : i32 to index
        %get3A_133 = arith.constant 80 : index
        %get3A_134 = tpu.vector_load %arg14[%get3A_132, %get3A_133] {strides = array<i32>} : memref<80x128xf32, #tpu.memory_space<vmem>>, vector<1x16xf32>,
        %get3A_135 = vector.shape_cast %get3A_134 : vector<1x16xf32> to vector<16xf32>
        %mul3A_136 = arith.mulf %get3A_135, %broadcast_in_dim3A_131 : vector<16xf32>
        %swap3A_137 = arith.index_cast %scan3A_44 : i32 to index
        %swap3A_138 = arith.constant 80 : index
        %swap3A_139 = tpu.vector_load %arg15[%swap3A_137, %swap3A_138] {strides = array<i32>} : memref<80x144xf32, #tpu.memory_space<vmem>>, vector<1x16xf32>,
        %swap3A_140 = vector.shape_cast %swap3A_139 : vector<1x16xf32> to vector<16xf32>
        %swap3A_141 = vector.shape_cast %mul3A_136 : vector<16xf32> to vector<1x16xf32>
        tpu.vector_store %arg15[%swap3A_137, %swap3A_138], %swap3A_141 {strides = array<i32>} : memref<80x144xf32, #tpu.memory_space<vmem>>, vector<1x16xf32>,
        %slice3A_142 = vector.extract_strided_slice %exp3A {offsets = [3], sizes = [1], strides = [1]} : vector<16xf32> to vector<1xf32>
        %squeeze3A_143 = vector.extract %slice3A_142[0] : f32 from vector<1xf32>
        %broadcast_in_dim3A_144 = vector.broadcast %squeeze3A_143 : f32 to vector<16xf32>
        %get3A_145 = arith.index_cast %scan3A_44 : i32 to index
        %get3A_146 = arith.constant 96 : index
        %get3A_147 = tpu.vector_load %arg14[%get3A_145, %get3A_146] {strides = array<i32>} : memref<80x128xf32, #tpu.memory_space<vmem>>, vector<1x16xf32>,
        %get3A_148 = vector.shape_cast %get3A_147 : vector<1x16xf32> to vector<16xf32>
        %mul3A_149 = arith.mulf %get3A_148, %broadcast_in_dim3A_144 : vector<16xf32>
        %swap3A_150 = arith.index_cast %scan3A_44 : i32 to index
        %swap3A_151 = arith.constant 96 : index
        %swap3A_152 = tpu.vector_load %arg15[%swap3A_150, %swap3A_151] {strides = array<i32>} : memref<80x144xf32, #tpu.memory_space<vmem>>, vector<1x16xf32>,
        %swap3A_153 = vector.shape_cast %swap3A_152 : vector<1x16xf32> to vector<16xf32>
        %swap3A_154 = vector.shape_cast %mul3A_149 : vector<16xf32> to vector<1x16xf32>
        tpu.vector_store %arg15[%swap3A_150, %swap3A_151], %swap3A_154 {strides = array<i32>} : memref<80x144xf32, #tpu.memory_space<vmem>>, vector<1x16xf32>,
        %slice3A_155 = vector.extract_strided_slice %exp3A {offsets = [3], sizes = [1], strides = [1]} : vector<16xf32> to vector<1xf32>
        %squeeze3A_156 = vector.extract %slice3A_155[0] : f32 from vector<1xf32>
        %broadcast_in_dim3A_157 = vector.broadcast %squeeze3A_156 : f32 to vector<16xf32>
        %get3A_158 = arith.index_cast %scan3A_44 : i32 to index
        %get3A_159 = arith.constant 112 : index
        %get3A_160 = tpu.vector_load %arg14[%get3A_158, %get3A_159] {strides = array<i32>} : memref<80x128xf32, #tpu.memory_space<vmem>>, vector<1x16xf32>,
        %get3A_161 = vector.shape_cast %get3A_160 : vector<1x16xf32> to vector<16xf32>
        %mul3A_162 = arith.mulf %get3A_161, %broadcast_in_dim3A_157 : vector<16xf32>
        %swap3A_163 = arith.index_cast %scan3A_44 : i32 to index
        %swap3A_164 = arith.constant 112 : index
        %swap3A_165 = tpu.vector_load %arg15[%swap3A_163, %swap3A_164] {strides = array<i32>} : memref<80x144xf32, #tpu.memory_space<vmem>>, vector<1x16xf32>,
        %swap3A_166 = vector.shape_cast %swap3A_165 : vector<1x16xf32> to vector<16xf32>
        %swap3A_167 = vector.shape_cast %mul3A_162 : vector<16xf32> to vector<1x16xf32>
        tpu.vector_store %arg15[%swap3A_163, %swap3A_164], %swap3A_167 {strides = array<i32>} : memref<80x144xf32, #tpu.memory_space<vmem>>, vector<1x16xf32>,
      }
      %scan3A_43 = arith.constant 80 : i32
      "tpu.region"() ({
        %run_scoped3A = tpu.sem_alloc : memref<!tpu.dma_semaphore, #tpu.memory_space<semaphore_mem>>
        %dma_start3A_44 = arith.constant 0 : i32
        %dma_start3A_45 = arith.constant 0 : i32
        %dma_start3A_46 = tpu.memref_slice %arg9[%dma_start3A_44, %dma_start3A_45] : memref<10000x144xf32, #tpu.memory_space<vmem_shared>> -> memref<10000x144xf32, #tpu.memory_space<vmem_shared>>
        tpu.enqueue_indirect_dma source(%arg15 : memref<80x144xf32, #tpu.memory_space<vmem>>) target(%dma_start3A_46 : memref<10000x144xf32, #tpu.memory_space<vmem_shared>>) offsets(%arg11 : memref<80xi32, #tpu.memory_space<vmem>>) semaphore(%run_scoped3A : memref<!tpu.dma_semaphore, #tpu.memory_space<semaphore_mem>>) {add = true}
        %dma_wait3A_47 = arith.constant 0 : i32
        %dma_wait3A_48 = arith.constant 0 : i32
        %dma_wait3A_49 = tpu.memref_slice %arg9[%dma_wait3A_47, %dma_wait3A_48] : memref<10000x144xf32, #tpu.memory_space<vmem_shared>> -> memref<10000x144xf32, #tpu.memory_space<vmem_shared>>
        tpu.wait_indirect_dma semaphore(%run_scoped3A : memref<!tpu.dma_semaphore, #tpu.memory_space<semaphore_mem>>) src(%arg15 : memref<80x144xf32, #tpu.memory_space<vmem>>) dst(%dma_wait3A_49 : memref<10000x144xf32, #tpu.memory_space<vmem_shared>>)
        tpu.yield
      }) : () -> ()
    }
    %scan3A_9 = arith.constant 125 : i32
    %barrier3A_10 = arith.constant 0 : index
    tpu.barrier barrier_id(%barrier3A_10)
    "tpu.region"() ({
      %run_scoped3A = tpu.sem_alloc : memref<!tpu.dma_semaphore, #tpu.memory_space<semaphore_mem>>
      %dma_start3A = arith.constant 0 : i32
      %dma_start3A_16 = tpu.memref_slice %arg8[%arg0, %mul3A_2, %dma_start3A] : memref<2x10000x144xf32, #tpu.memory_space<hbm>> -> memref<1x624x144xf32, #tpu.memory_space<hbm>>
      %dma_start3A_17 = tpu.memref_squeeze %dma_start3A_16 : memref<1x624x144xf32, #tpu.memory_space<hbm>> -> memref<624x144xf32, #tpu.memory_space<hbm>>
      %dma_start3A_18 = arith.constant 0 : i32
      %dma_start3A_19 = tpu.memref_slice %arg9[%mul3A_2, %dma_start3A_18] : memref<10000x144xf32, #tpu.memory_space<vmem_shared>> -> memref<624x144xf32, #tpu.memory_space<vmem_shared>>
      tpu.enqueue_dma source(%dma_start3A_19 : memref<624x144xf32, #tpu.memory_space<vmem_shared>>) target(%dma_start3A_17 : memref<624x144xf32, #tpu.memory_space<hbm>>) target_semaphore(%run_scoped3A : memref<!tpu.dma_semaphore, #tpu.memory_space<semaphore_mem>>)
      %dma_wait3A = arith.constant 0 : i32
      %dma_wait3A_20 = tpu.memref_slice %arg8[%arg0, %mul3A_2, %dma_wait3A] : memref<2x10000x144xf32, #tpu.memory_space<hbm>> -> memref<1x624x144xf32, #tpu.memory_space<hbm>>
      %dma_wait3A_21 = tpu.memref_squeeze %dma_wait3A_20 : memref<1x624x144xf32, #tpu.memory_space<hbm>> -> memref<624x144xf32, #tpu.memory_space<hbm>>
      %dma_wait3A_22 = arith.constant 0 : i32
      %dma_wait3A_23 = tpu.memref_slice %arg9[%mul3A_2, %dma_wait3A_22] : memref<10000x144xf32, #tpu.memory_space<vmem_shared>> -> memref<624x144xf32, #tpu.memory_space<vmem_shared>>
      tpu.wait_dma2 semaphore(%run_scoped3A : memref<!tpu.dma_semaphore, #tpu.memory_space<semaphore_mem>>) src(%dma_wait3A_23 : memref<624x144xf32, #tpu.memory_space<vmem_shared>>) dst(%dma_wait3A_21 : memref<624x144xf32, #tpu.memory_space<hbm>>)
      tpu.yield
    }) : () -> ()
    %eq3A_11 = arith.constant 0 : i32
    %eq3A_12 = arith.cmpi eq, %arg1, %eq3A_11 : i32
    %convert_element_type3A_13 = arith.extui %eq3A_12 : i1 to i32
    %cond3A_14 = arith.constant 0 : i32
    %cond3A_15 = arith.cmpi ne, %convert_element_type3A_13, %cond3A_14 : i32
    scf.if %cond3A_15 {
      "tpu.region"() ({
        %run_scoped3A = tpu.sem_alloc : memref<!tpu.dma_semaphore, #tpu.memory_space<semaphore_mem>>
        %dma_start3A = arith.constant 9984 : i32
        %dma_start3A_16 = arith.constant 0 : i32
        %dma_start3A_17 = tpu.memref_slice %arg8[%arg0, %dma_start3A, %dma_start3A_16] : memref<2x10000x144xf32, #tpu.memory_space<hbm>> -> memref<1x16x144xf32, #tpu.memory_space<hbm>>
        %dma_start3A_18 = tpu.memref_squeeze %dma_start3A_17 : memref<1x16x144xf32, #tpu.memory_space<hbm>> -> memref<16x144xf32, #tpu.memory_space<hbm>>
        %dma_start3A_19 = arith.constant 9984 : i32
        %dma_start3A_20 = arith.constant 0 : i32
        %dma_start3A_21 = tpu.memref_slice %arg9[%dma_start3A_19, %dma_start3A_20] : memref<10000x144xf32, #tpu.memory_space<vmem_shared>> -> memref<16x144xf32, #tpu.memory_space<vmem_shared>>
        tpu.enqueue_dma source(%dma_start3A_21 : memref<16x144xf32, #tpu.memory_space<vmem_shared>>) target(%dma_start3A_18 : memref<16x144xf32, #tpu.memory_space<hbm>>) target_semaphore(%run_scoped3A : memref<!tpu.dma_semaphore, #tpu.memory_space<semaphore_mem>>)
        %dma_wait3A = arith.constant 9984 : i32
        %dma_wait3A_22 = arith.constant 0 : i32
        %dma_wait3A_23 = tpu.memref_slice %arg8[%arg0, %dma_wait3A, %dma_wait3A_22] : memref<2x10000x144xf32, #tpu.memory_space<hbm>> -> memref<1x16x144xf32, #tpu.memory_space<hbm>>
        %dma_wait3A_24 = tpu.memref_squeeze %dma_wait3A_23 : memref<1x16x144xf32, #tpu.memory_space<hbm>> -> memref<16x144xf32, #tpu.memory_space<hbm>>
        %dma_wait3A_25 = arith.constant 9984 : i32
        %dma_wait3A_26 = arith.constant 0 : i32
        %dma_wait3A_27 = tpu.memref_slice %arg9[%dma_wait3A_25, %dma_wait3A_26] : memref<10000x144xf32, #tpu.memory_space<vmem_shared>> -> memref<16x144xf32, #tpu.memory_space<vmem_shared>>
        tpu.wait_dma2 semaphore(%run_scoped3A : memref<!tpu.dma_semaphore, #tpu.memory_space<semaphore_mem>>) src(%dma_wait3A_27 : memref<16x144xf32, #tpu.memory_space<vmem_shared>>) dst(%dma_wait3A_24 : memref<16x144xf32, #tpu.memory_space<hbm>>)
        tpu.yield
      }) : () -> ()
    } else {
    }
    return
  }
}

#map = affine_map<(d0, d1) -> (0, 0)>
#map1 = affine_map<(d0, d1) -> (0)>
module attributes {stable_mosaic.version = 14 : i64} {
  func.func @k(%arg0: i32, %arg1: i32, %arg2: memref<10000x64xf32, #tpu.memory_space<hbm>>, %arg3: memref<10000x64xf32, #tpu.memory_space<hbm>>, %arg4: memref<65536xi32, #tpu.memory_space<hbm>>, %arg5: memref<65536xi32, #tpu.memory_space<hbm>>, %arg6: memref<65536x64xf32, #tpu.memory_space<hbm>>, %arg7: memref<128xi32, #tpu.memory_space<vmem>>, %arg8: memref<128xi32, #tpu.memory_space<vmem>>, %arg9: memref<128x64xf32, #tpu.memory_space<vmem>>, %arg10: memref<128x64xf32, #tpu.memory_space<vmem>>, %arg11: memref<!tpu.dma_semaphore, #tpu.memory_space<semaphore_mem>>) attributes {dimension_semantics = [#tpu.dimension_semantics<core_parallel>, #tpu.dimension_semantics<subcore_parallel>], iteration_bounds = array<i64: 2, 16>, scalar_prefetch = 0 : i64, scratch_operands = 5 : i64, tpu.core_type = #tpu.core_type<sc_vector_subcore>, window_params = [{transform_indices = #map}, {transform_indices = #map}, {transform_indices = #map1}, {transform_indices = #map1}, {transform_indices = #map}]} {
    %mul3A = arith.constant 16 : i32
    %mul3A_0 = arith.muli %arg0, %mul3A : i32
    %add3A = arith.addi %mul3A_0, %arg1 : i32
    %scan3A = arith.constant 0 : i32
    %scan3A_1 = arith.constant 0 : i32
    %scan3A_2 = arith.constant 16 : i32
    %scan3A_3 = arith.addi %scan3A_1, %scan3A_2 : i32
    %scan3A_4 = arith.constant 1 : i32
    scf.for %scan3A_6 = %scan3A_1 to %scan3A_3 step %scan3A_4  : i32 {
      %mul3A_7 = arith.constant 2048 : i32
      %mul3A_8 = arith.muli %add3A, %mul3A_7 : i32
      %mul3A_9 = arith.constant 128 : i32
      %mul3A_10 = arith.muli %scan3A_6, %mul3A_9 : i32
      %add3A_11 = arith.addi %mul3A_8, %mul3A_10 : i32
      "tpu.region"() ({
        %run_scoped3A = tpu.sem_alloc : memref<!tpu.dma_semaphore, #tpu.memory_space<semaphore_mem>>
        %dma_start3A_28 = tpu.memref_slice %arg4[%add3A_11] : memref<65536xi32, #tpu.memory_space<hbm>> -> memref<128xi32, #tpu.memory_space<hbm>>
        %dma_start3A_29 = tpu.memref_slice %arg4[%add3A_11] : memref<65536xi32, #tpu.memory_space<hbm>> -> memref<128xi32, #tpu.memory_space<hbm>>
        tpu.enqueue_dma source(%dma_start3A_29 : memref<128xi32, #tpu.memory_space<hbm>>) target(%arg7 : memref<128xi32, #tpu.memory_space<vmem>>) target_semaphore(%run_scoped3A : memref<!tpu.dma_semaphore, #tpu.memory_space<semaphore_mem>>)
        %dma_wait3A_30 = tpu.memref_slice %arg4[%add3A_11] : memref<65536xi32, #tpu.memory_space<hbm>> -> memref<128xi32, #tpu.memory_space<hbm>>
        %dma_wait3A_31 = tpu.memref_slice %arg4[%add3A_11] : memref<65536xi32, #tpu.memory_space<hbm>> -> memref<128xi32, #tpu.memory_space<hbm>>
        tpu.wait_dma2 semaphore(%run_scoped3A : memref<!tpu.dma_semaphore, #tpu.memory_space<semaphore_mem>>) src(%dma_wait3A_31 : memref<128xi32, #tpu.memory_space<hbm>>) dst(%arg7 : memref<128xi32, #tpu.memory_space<vmem>>)
        tpu.yield
      }) : () -> ()
      "tpu.region"() ({
        %run_scoped3A = tpu.sem_alloc : memref<!tpu.dma_semaphore, #tpu.memory_space<semaphore_mem>>
        %dma_start3A_28 = tpu.memref_slice %arg5[%add3A_11] : memref<65536xi32, #tpu.memory_space<hbm>> -> memref<128xi32, #tpu.memory_space<hbm>>
        %dma_start3A_29 = tpu.memref_slice %arg5[%add3A_11] : memref<65536xi32, #tpu.memory_space<hbm>> -> memref<128xi32, #tpu.memory_space<hbm>>
        tpu.enqueue_dma source(%dma_start3A_29 : memref<128xi32, #tpu.memory_space<hbm>>) target(%arg8 : memref<128xi32, #tpu.memory_space<vmem>>) target_semaphore(%run_scoped3A : memref<!tpu.dma_semaphore, #tpu.memory_space<semaphore_mem>>)
        %dma_wait3A_30 = tpu.memref_slice %arg5[%add3A_11] : memref<65536xi32, #tpu.memory_space<hbm>> -> memref<128xi32, #tpu.memory_space<hbm>>
        %dma_wait3A_31 = tpu.memref_slice %arg5[%add3A_11] : memref<65536xi32, #tpu.memory_space<hbm>> -> memref<128xi32, #tpu.memory_space<hbm>>
        tpu.wait_dma2 semaphore(%run_scoped3A : memref<!tpu.dma_semaphore, #tpu.memory_space<semaphore_mem>>) src(%dma_wait3A_31 : memref<128xi32, #tpu.memory_space<hbm>>) dst(%arg8 : memref<128xi32, #tpu.memory_space<vmem>>)
        tpu.yield
      }) : () -> ()
      %dma_start3A = arith.constant 0 : i32
      %dma_start3A_12 = arith.constant 0 : i32
      %dma_start3A_13 = tpu.memref_slice %arg2[%dma_start3A, %dma_start3A_12] : memref<10000x64xf32, #tpu.memory_space<hbm>> -> memref<10000x64xf32, #tpu.memory_space<hbm>>
      tpu.enqueue_indirect_dma source(%dma_start3A_13 : memref<10000x64xf32, #tpu.memory_space<hbm>>) target(%arg9 : memref<128x64xf32, #tpu.memory_space<vmem>>) offsets(%arg7 : memref<128xi32, #tpu.memory_space<vmem>>) semaphore(%arg11 : memref<!tpu.dma_semaphore, #tpu.memory_space<semaphore_mem>>)
      %dma_wait3A = arith.constant 0 : i32
      %dma_wait3A_14 = arith.constant 0 : i32
      %dma_wait3A_15 = tpu.memref_slice %arg2[%dma_wait3A, %dma_wait3A_14] : memref<10000x64xf32, #tpu.memory_space<hbm>> -> memref<10000x64xf32, #tpu.memory_space<hbm>>
      tpu.wait_indirect_dma semaphore(%arg11 : memref<!tpu.dma_semaphore, #tpu.memory_space<semaphore_mem>>) src(%dma_wait3A_15 : memref<10000x64xf32, #tpu.memory_space<hbm>>) dst(%arg9 : memref<128x64xf32, #tpu.memory_space<vmem>>)
      %dma_start3A_16 = arith.constant 0 : i32
      %dma_start3A_17 = arith.constant 0 : i32
      %dma_start3A_18 = tpu.memref_slice %arg3[%dma_start3A_16, %dma_start3A_17] : memref<10000x64xf32, #tpu.memory_space<hbm>> -> memref<10000x64xf32, #tpu.memory_space<hbm>>
      tpu.enqueue_indirect_dma source(%dma_start3A_18 : memref<10000x64xf32, #tpu.memory_space<hbm>>) target(%arg10 : memref<128x64xf32, #tpu.memory_space<vmem>>) offsets(%arg8 : memref<128xi32, #tpu.memory_space<vmem>>) semaphore(%arg11 : memref<!tpu.dma_semaphore, #tpu.memory_space<semaphore_mem>>)
      %dma_wait3A_19 = arith.constant 0 : i32
      %dma_wait3A_20 = arith.constant 0 : i32
      %dma_wait3A_21 = tpu.memref_slice %arg3[%dma_wait3A_19, %dma_wait3A_20] : memref<10000x64xf32, #tpu.memory_space<hbm>> -> memref<10000x64xf32, #tpu.memory_space<hbm>>
      tpu.wait_indirect_dma semaphore(%arg11 : memref<!tpu.dma_semaphore, #tpu.memory_space<semaphore_mem>>) src(%dma_wait3A_21 : memref<10000x64xf32, #tpu.memory_space<hbm>>) dst(%arg10 : memref<128x64xf32, #tpu.memory_space<vmem>>)
      %scan3A_22 = arith.constant 0 : i32
      %scan3A_23 = arith.constant 0 : i32
      %scan3A_24 = arith.constant 128 : i32
      %scan3A_25 = arith.addi %scan3A_23, %scan3A_24 : i32
      %scan3A_26 = arith.constant 1 : i32
      scf.for %scan3A_28 = %scan3A_23 to %scan3A_25 step %scan3A_26  : i32 {
        %get3A = arith.index_cast %scan3A_28 : i32 to index
        %get3A_29 = arith.constant 0 : index
        %get3A_30 = tpu.vector_load %arg9[%get3A, %get3A_29] {strides = array<i32>} : memref<128x64xf32, #tpu.memory_space<vmem>>, vector<1x16xf32>,
        %get3A_31 = vector.shape_cast %get3A_30 : vector<1x16xf32> to vector<16xf32>
        %get3A_32 = arith.index_cast %scan3A_28 : i32 to index
        %get3A_33 = arith.constant 0 : index
        %get3A_34 = tpu.vector_load %arg10[%get3A_32, %get3A_33] {strides = array<i32>} : memref<128x64xf32, #tpu.memory_space<vmem>>, vector<1x16xf32>,
        %get3A_35 = vector.shape_cast %get3A_34 : vector<1x16xf32> to vector<16xf32>
        %add3A_36 = arith.addf %get3A_31, %get3A_35 : vector<16xf32>
        %swap3A = arith.index_cast %scan3A_28 : i32 to index
        %swap3A_37 = arith.constant 0 : index
        %swap3A_38 = tpu.vector_load %arg9[%swap3A, %swap3A_37] {strides = array<i32>} : memref<128x64xf32, #tpu.memory_space<vmem>>, vector<1x16xf32>,
        %swap3A_39 = vector.shape_cast %swap3A_38 : vector<1x16xf32> to vector<16xf32>
        %swap3A_40 = vector.shape_cast %add3A_36 : vector<16xf32> to vector<1x16xf32>
        tpu.vector_store %arg9[%swap3A, %swap3A_37], %swap3A_40 {strides = array<i32>} : memref<128x64xf32, #tpu.memory_space<vmem>>, vector<1x16xf32>,
        %get3A_41 = arith.index_cast %scan3A_28 : i32 to index
        %get3A_42 = arith.constant 16 : index
        %get3A_43 = tpu.vector_load %arg9[%get3A_41, %get3A_42] {strides = array<i32>} : memref<128x64xf32, #tpu.memory_space<vmem>>, vector<1x16xf32>,
        %get3A_44 = vector.shape_cast %get3A_43 : vector<1x16xf32> to vector<16xf32>
        %get3A_45 = arith.index_cast %scan3A_28 : i32 to index
        %get3A_46 = arith.constant 16 : index
        %get3A_47 = tpu.vector_load %arg10[%get3A_45, %get3A_46] {strides = array<i32>} : memref<128x64xf32, #tpu.memory_space<vmem>>, vector<1x16xf32>,
        %get3A_48 = vector.shape_cast %get3A_47 : vector<1x16xf32> to vector<16xf32>
        %add3A_49 = arith.addf %get3A_44, %get3A_48 : vector<16xf32>
        %swap3A_50 = arith.index_cast %scan3A_28 : i32 to index
        %swap3A_51 = arith.constant 16 : index
        %swap3A_52 = tpu.vector_load %arg9[%swap3A_50, %swap3A_51] {strides = array<i32>} : memref<128x64xf32, #tpu.memory_space<vmem>>, vector<1x16xf32>,
        %swap3A_53 = vector.shape_cast %swap3A_52 : vector<1x16xf32> to vector<16xf32>
        %swap3A_54 = vector.shape_cast %add3A_49 : vector<16xf32> to vector<1x16xf32>
        tpu.vector_store %arg9[%swap3A_50, %swap3A_51], %swap3A_54 {strides = array<i32>} : memref<128x64xf32, #tpu.memory_space<vmem>>, vector<1x16xf32>,
        %get3A_55 = arith.index_cast %scan3A_28 : i32 to index
        %get3A_56 = arith.constant 32 : index
        %get3A_57 = tpu.vector_load %arg9[%get3A_55, %get3A_56] {strides = array<i32>} : memref<128x64xf32, #tpu.memory_space<vmem>>, vector<1x16xf32>,
        %get3A_58 = vector.shape_cast %get3A_57 : vector<1x16xf32> to vector<16xf32>
        %get3A_59 = arith.index_cast %scan3A_28 : i32 to index
        %get3A_60 = arith.constant 32 : index
        %get3A_61 = tpu.vector_load %arg10[%get3A_59, %get3A_60] {strides = array<i32>} : memref<128x64xf32, #tpu.memory_space<vmem>>, vector<1x16xf32>,
        %get3A_62 = vector.shape_cast %get3A_61 : vector<1x16xf32> to vector<16xf32>
        %add3A_63 = arith.addf %get3A_58, %get3A_62 : vector<16xf32>
        %swap3A_64 = arith.index_cast %scan3A_28 : i32 to index
        %swap3A_65 = arith.constant 32 : index
        %swap3A_66 = tpu.vector_load %arg9[%swap3A_64, %swap3A_65] {strides = array<i32>} : memref<128x64xf32, #tpu.memory_space<vmem>>, vector<1x16xf32>,
        %swap3A_67 = vector.shape_cast %swap3A_66 : vector<1x16xf32> to vector<16xf32>
        %swap3A_68 = vector.shape_cast %add3A_63 : vector<16xf32> to vector<1x16xf32>
        tpu.vector_store %arg9[%swap3A_64, %swap3A_65], %swap3A_68 {strides = array<i32>} : memref<128x64xf32, #tpu.memory_space<vmem>>, vector<1x16xf32>,
        %get3A_69 = arith.index_cast %scan3A_28 : i32 to index
        %get3A_70 = arith.constant 48 : index
        %get3A_71 = tpu.vector_load %arg9[%get3A_69, %get3A_70] {strides = array<i32>} : memref<128x64xf32, #tpu.memory_space<vmem>>, vector<1x16xf32>,
        %get3A_72 = vector.shape_cast %get3A_71 : vector<1x16xf32> to vector<16xf32>
        %get3A_73 = arith.index_cast %scan3A_28 : i32 to index
        %get3A_74 = arith.constant 48 : index
        %get3A_75 = tpu.vector_load %arg10[%get3A_73, %get3A_74] {strides = array<i32>} : memref<128x64xf32, #tpu.memory_space<vmem>>, vector<1x16xf32>,
        %get3A_76 = vector.shape_cast %get3A_75 : vector<1x16xf32> to vector<16xf32>
        %add3A_77 = arith.addf %get3A_72, %get3A_76 : vector<16xf32>
        %swap3A_78 = arith.index_cast %scan3A_28 : i32 to index
        %swap3A_79 = arith.constant 48 : index
        %swap3A_80 = tpu.vector_load %arg9[%swap3A_78, %swap3A_79] {strides = array<i32>} : memref<128x64xf32, #tpu.memory_space<vmem>>, vector<1x16xf32>,
        %swap3A_81 = vector.shape_cast %swap3A_80 : vector<1x16xf32> to vector<16xf32>
        %swap3A_82 = vector.shape_cast %add3A_77 : vector<16xf32> to vector<1x16xf32>
        tpu.vector_store %arg9[%swap3A_78, %swap3A_79], %swap3A_82 {strides = array<i32>} : memref<128x64xf32, #tpu.memory_space<vmem>>, vector<1x16xf32>,
      }
      %scan3A_27 = arith.constant 128 : i32
      "tpu.region"() ({
        %run_scoped3A = tpu.sem_alloc : memref<!tpu.dma_semaphore, #tpu.memory_space<semaphore_mem>>
        %dma_start3A_28 = arith.constant 0 : i32
        %dma_start3A_29 = tpu.memref_slice %arg6[%add3A_11, %dma_start3A_28] : memref<65536x64xf32, #tpu.memory_space<hbm>> -> memref<128x64xf32, #tpu.memory_space<hbm>>
        %dma_start3A_30 = arith.constant 0 : i32
        %dma_start3A_31 = tpu.memref_slice %arg6[%add3A_11, %dma_start3A_30] : memref<65536x64xf32, #tpu.memory_space<hbm>> -> memref<128x64xf32, #tpu.memory_space<hbm>>
        tpu.enqueue_dma source(%arg9 : memref<128x64xf32, #tpu.memory_space<vmem>>) target(%dma_start3A_31 : memref<128x64xf32, #tpu.memory_space<hbm>>) target_semaphore(%run_scoped3A : memref<!tpu.dma_semaphore, #tpu.memory_space<semaphore_mem>>)
        %dma_wait3A_32 = arith.constant 0 : i32
        %dma_wait3A_33 = tpu.memref_slice %arg6[%add3A_11, %dma_wait3A_32] : memref<65536x64xf32, #tpu.memory_space<hbm>> -> memref<128x64xf32, #tpu.memory_space<hbm>>
        %dma_wait3A_34 = arith.constant 0 : i32
        %dma_wait3A_35 = tpu.memref_slice %arg6[%add3A_11, %dma_wait3A_34] : memref<65536x64xf32, #tpu.memory_space<hbm>> -> memref<128x64xf32, #tpu.memory_space<hbm>>
        tpu.wait_dma2 semaphore(%run_scoped3A : memref<!tpu.dma_semaphore, #tpu.memory_space<semaphore_mem>>) src(%arg9 : memref<128x64xf32, #tpu.memory_space<vmem>>) dst(%dma_wait3A_35 : memref<128x64xf32, #tpu.memory_space<hbm>>)
        tpu.yield
      }) : () -> ()
    }
    %scan3A_5 = arith.constant 16 : i32
    return
  }
}

#map = affine_map<(d0, d1) -> (0, 0)>
#map1 = affine_map<(d0, d1) -> (0)>
#map2 = affine_map<(d0, d1) -> (0, 0, 0)>
module attributes {stable_mosaic.version = 14 : i64} {
  func.func @k(%arg0: i32, %arg1: i32, %arg2: memref<10000x64xf32, #tpu.memory_space<hbm>>, %arg3: memref<10000x16xf32, #tpu.memory_space<hbm>>, %arg4: memref<10000x16xf32, #tpu.memory_space<hbm>>, %arg5: memref<320000xi32, #tpu.memory_space<hbm>>, %arg6: memref<320000xi32, #tpu.memory_space<hbm>>, %arg7: memref<10000x80xf32, #tpu.memory_space<hbm>>, %arg8: memref<2x10000x80xf32, #tpu.memory_space<hbm>>, %arg9: memref<10000x80xf32, #tpu.memory_space<vmem_shared>>, %arg10: memref<80xi32, #tpu.memory_space<vmem>>, %arg11: memref<80xi32, #tpu.memory_space<vmem>>, %arg12: memref<80x16xf32, #tpu.memory_space<vmem>>, %arg13: memref<80x16xf32, #tpu.memory_space<vmem>>, %arg14: memref<80x64xf32, #tpu.memory_space<vmem>>, %arg15: memref<80x80xf32, #tpu.memory_space<vmem>>, %arg16: memref<!tpu.dma_semaphore, #tpu.memory_space<semaphore_mem>>) attributes {dimension_semantics = [#tpu.dimension_semantics<core_parallel>, #tpu.dimension_semantics<subcore_parallel>], iteration_bounds = array<i64: 2, 16>, scalar_prefetch = 0 : i64, scratch_operands = 8 : i64, tpu.core_type = #tpu.core_type<sc_vector_subcore>, window_params = [{transform_indices = #map}, {transform_indices = #map}, {transform_indices = #map}, {transform_indices = #map1}, {transform_indices = #map1}, {transform_indices = #map}, {transform_indices = #map2}]} {
    %mul3A = arith.constant 16 : i32
    %mul3A_0 = arith.muli %arg0, %mul3A : i32
    %add3A = arith.addi %mul3A_0, %arg1 : i32
    %mul3A_1 = arith.constant 624 : i32
    %mul3A_2 = arith.muli %arg1, %mul3A_1 : i32
    "tpu.region"() ({
      %run_scoped3A = tpu.sem_alloc : memref<!tpu.dma_semaphore, #tpu.memory_space<semaphore_mem>>
      %dma_start3A = arith.constant 0 : i32
      %dma_start3A_16 = tpu.memref_slice %arg9[%mul3A_2, %dma_start3A] : memref<10000x80xf32, #tpu.memory_space<vmem_shared>> -> memref<624x80xf32, #tpu.memory_space<vmem_shared>>
      %dma_start3A_17 = arith.constant 0 : i32
      %dma_start3A_18 = tpu.memref_slice %arg7[%mul3A_2, %dma_start3A_17] : memref<10000x80xf32, #tpu.memory_space<hbm>> -> memref<624x80xf32, #tpu.memory_space<hbm>>
      tpu.enqueue_dma source(%dma_start3A_18 : memref<624x80xf32, #tpu.memory_space<hbm>>) target(%dma_start3A_16 : memref<624x80xf32, #tpu.memory_space<vmem_shared>>) target_semaphore(%run_scoped3A : memref<!tpu.dma_semaphore, #tpu.memory_space<semaphore_mem>>)
      %dma_wait3A = arith.constant 0 : i32
      %dma_wait3A_19 = tpu.memref_slice %arg9[%mul3A_2, %dma_wait3A] : memref<10000x80xf32, #tpu.memory_space<vmem_shared>> -> memref<624x80xf32, #tpu.memory_space<vmem_shared>>
      %dma_wait3A_20 = arith.constant 0 : i32
      %dma_wait3A_21 = tpu.memref_slice %arg7[%mul3A_2, %dma_wait3A_20] : memref<10000x80xf32, #tpu.memory_space<hbm>> -> memref<624x80xf32, #tpu.memory_space<hbm>>
      tpu.wait_dma2 semaphore(%run_scoped3A : memref<!tpu.dma_semaphore, #tpu.memory_space<semaphore_mem>>) src(%dma_wait3A_21 : memref<624x80xf32, #tpu.memory_space<hbm>>) dst(%dma_wait3A_19 : memref<624x80xf32, #tpu.memory_space<vmem_shared>>)
      tpu.yield
    }) : () -> ()
    %eq3A = arith.constant 0 : i32
    %eq3A_3 = arith.cmpi eq, %arg1, %eq3A : i32
    %convert_element_type3A = arith.extui %eq3A_3 : i1 to i32
    %cond3A = arith.constant 0 : i32
    %cond3A_4 = arith.cmpi ne, %convert_element_type3A, %cond3A : i32
    scf.if %cond3A_4 {
      "tpu.region"() ({
        %run_scoped3A = tpu.sem_alloc : memref<!tpu.dma_semaphore, #tpu.memory_space<semaphore_mem>>
        %dma_start3A = arith.constant 9984 : i32
        %dma_start3A_16 = arith.constant 0 : i32
        %dma_start3A_17 = tpu.memref_slice %arg9[%dma_start3A, %dma_start3A_16] : memref<10000x80xf32, #tpu.memory_space<vmem_shared>> -> memref<16x80xf32, #tpu.memory_space<vmem_shared>>
        %dma_start3A_18 = arith.constant 9984 : i32
        %dma_start3A_19 = arith.constant 0 : i32
        %dma_start3A_20 = tpu.memref_slice %arg7[%dma_start3A_18, %dma_start3A_19] : memref<10000x80xf32, #tpu.memory_space<hbm>> -> memref<16x80xf32, #tpu.memory_space<hbm>>
        tpu.enqueue_dma source(%dma_start3A_20 : memref<16x80xf32, #tpu.memory_space<hbm>>) target(%dma_start3A_17 : memref<16x80xf32, #tpu.memory_space<vmem_shared>>) target_semaphore(%run_scoped3A : memref<!tpu.dma_semaphore, #tpu.memory_space<semaphore_mem>>)
        %dma_wait3A = arith.constant 9984 : i32
        %dma_wait3A_21 = arith.constant 0 : i32
        %dma_wait3A_22 = tpu.memref_slice %arg9[%dma_wait3A, %dma_wait3A_21] : memref<10000x80xf32, #tpu.memory_space<vmem_shared>> -> memref<16x80xf32, #tpu.memory_space<vmem_shared>>
        %dma_wait3A_23 = arith.constant 9984 : i32
        %dma_wait3A_24 = arith.constant 0 : i32
        %dma_wait3A_25 = tpu.memref_slice %arg7[%dma_wait3A_23, %dma_wait3A_24] : memref<10000x80xf32, #tpu.memory_space<hbm>> -> memref<16x80xf32, #tpu.memory_space<hbm>>
        tpu.wait_dma2 semaphore(%run_scoped3A : memref<!tpu.dma_semaphore, #tpu.memory_space<semaphore_mem>>) src(%dma_wait3A_25 : memref<16x80xf32, #tpu.memory_space<hbm>>) dst(%dma_wait3A_22 : memref<16x80xf32, #tpu.memory_space<vmem_shared>>)
        tpu.yield
      }) : () -> ()
    } else {
    }
    %barrier3A = arith.constant 0 : index
    tpu.barrier barrier_id(%barrier3A)
    %iota3A = tpu.iota {dimensions = array<i32: 0>} : vector<16xi32>
    %scan3A = arith.constant 0 : i32
    %scan3A_5 = arith.constant 0 : i32
    %scan3A_6 = arith.constant 125 : i32
    %scan3A_7 = arith.addi %scan3A_5, %scan3A_6 : i32
    %scan3A_8 = arith.constant 1 : i32
    scf.for %scan3A_16 = %scan3A_5 to %scan3A_7 step %scan3A_8  : i32 {
      %mul3A_17 = arith.constant 10000 : i32
      %mul3A_18 = arith.muli %add3A, %mul3A_17 : i32
      %mul3A_19 = arith.constant 80 : i32
      %mul3A_20 = arith.muli %scan3A_16, %mul3A_19 : i32
      %add3A_21 = arith.addi %mul3A_18, %mul3A_20 : i32
      "tpu.region"() ({
        %run_scoped3A = tpu.sem_alloc : memref<!tpu.dma_semaphore, #tpu.memory_space<semaphore_mem>>
        %dma_start3A_44 = tpu.memref_slice %arg5[%add3A_21] : memref<320000xi32, #tpu.memory_space<hbm>> -> memref<80xi32, #tpu.memory_space<hbm>>
        %dma_start3A_45 = tpu.memref_slice %arg5[%add3A_21] : memref<320000xi32, #tpu.memory_space<hbm>> -> memref<80xi32, #tpu.memory_space<hbm>>
        tpu.enqueue_dma source(%dma_start3A_45 : memref<80xi32, #tpu.memory_space<hbm>>) target(%arg10 : memref<80xi32, #tpu.memory_space<vmem>>) target_semaphore(%run_scoped3A : memref<!tpu.dma_semaphore, #tpu.memory_space<semaphore_mem>>)
        %dma_wait3A_46 = tpu.memref_slice %arg5[%add3A_21] : memref<320000xi32, #tpu.memory_space<hbm>> -> memref<80xi32, #tpu.memory_space<hbm>>
        %dma_wait3A_47 = tpu.memref_slice %arg5[%add3A_21] : memref<320000xi32, #tpu.memory_space<hbm>> -> memref<80xi32, #tpu.memory_space<hbm>>
        tpu.wait_dma2 semaphore(%run_scoped3A : memref<!tpu.dma_semaphore, #tpu.memory_space<semaphore_mem>>) src(%dma_wait3A_47 : memref<80xi32, #tpu.memory_space<hbm>>) dst(%arg10 : memref<80xi32, #tpu.memory_space<vmem>>)
        tpu.yield
      }) : () -> ()
      "tpu.region"() ({
        %run_scoped3A = tpu.sem_alloc : memref<!tpu.dma_semaphore, #tpu.memory_space<semaphore_mem>>
        %dma_start3A_44 = tpu.memref_slice %arg6[%add3A_21] : memref<320000xi32, #tpu.memory_space<hbm>> -> memref<80xi32, #tpu.memory_space<hbm>>
        %dma_start3A_45 = tpu.memref_slice %arg6[%add3A_21] : memref<320000xi32, #tpu.memory_space<hbm>> -> memref<80xi32, #tpu.memory_space<hbm>>
        tpu.enqueue_dma source(%dma_start3A_45 : memref<80xi32, #tpu.memory_space<hbm>>) target(%arg11 : memref<80xi32, #tpu.memory_space<vmem>>) target_semaphore(%run_scoped3A : memref<!tpu.dma_semaphore, #tpu.memory_space<semaphore_mem>>)
        %dma_wait3A_46 = tpu.memref_slice %arg6[%add3A_21] : memref<320000xi32, #tpu.memory_space<hbm>> -> memref<80xi32, #tpu.memory_space<hbm>>
        %dma_wait3A_47 = tpu.memref_slice %arg6[%add3A_21] : memref<320000xi32, #tpu.memory_space<hbm>> -> memref<80xi32, #tpu.memory_space<hbm>>
        tpu.wait_dma2 semaphore(%run_scoped3A : memref<!tpu.dma_semaphore, #tpu.memory_space<semaphore_mem>>) src(%dma_wait3A_47 : memref<80xi32, #tpu.memory_space<hbm>>) dst(%arg11 : memref<80xi32, #tpu.memory_space<vmem>>)
        tpu.yield
      }) : () -> ()
      %dma_start3A = arith.constant 0 : i32
      %dma_start3A_22 = arith.constant 0 : i32
      %dma_start3A_23 = tpu.memref_slice %arg3[%dma_start3A, %dma_start3A_22] : memref<10000x16xf32, #tpu.memory_space<hbm>> -> memref<10000x16xf32, #tpu.memory_space<hbm>>
      tpu.enqueue_indirect_dma source(%dma_start3A_23 : memref<10000x16xf32, #tpu.memory_space<hbm>>) target(%arg12 : memref<80x16xf32, #tpu.memory_space<vmem>>) offsets(%arg10 : memref<80xi32, #tpu.memory_space<vmem>>) semaphore(%arg16 : memref<!tpu.dma_semaphore, #tpu.memory_space<semaphore_mem>>)
      %dma_wait3A = arith.constant 0 : i32
      %dma_wait3A_24 = arith.constant 0 : i32
      %dma_wait3A_25 = tpu.memref_slice %arg3[%dma_wait3A, %dma_wait3A_24] : memref<10000x16xf32, #tpu.memory_space<hbm>> -> memref<10000x16xf32, #tpu.memory_space<hbm>>
      tpu.wait_indirect_dma semaphore(%arg16 : memref<!tpu.dma_semaphore, #tpu.memory_space<semaphore_mem>>) src(%dma_wait3A_25 : memref<10000x16xf32, #tpu.memory_space<hbm>>) dst(%arg12 : memref<80x16xf32, #tpu.memory_space<vmem>>)
      %dma_start3A_26 = arith.constant 0 : i32
      %dma_start3A_27 = arith.constant 0 : i32
      %dma_start3A_28 = tpu.memref_slice %arg4[%dma_start3A_26, %dma_start3A_27] : memref<10000x16xf32, #tpu.memory_space<hbm>> -> memref<10000x16xf32, #tpu.memory_space<hbm>>
      tpu.enqueue_indirect_dma source(%dma_start3A_28 : memref<10000x16xf32, #tpu.memory_space<hbm>>) target(%arg13 : memref<80x16xf32, #tpu.memory_space<vmem>>) offsets(%arg11 : memref<80xi32, #tpu.memory_space<vmem>>) semaphore(%arg16 : memref<!tpu.dma_semaphore, #tpu.memory_space<semaphore_mem>>)
      %dma_wait3A_29 = arith.constant 0 : i32
      %dma_wait3A_30 = arith.constant 0 : i32
      %dma_wait3A_31 = tpu.memref_slice %arg4[%dma_wait3A_29, %dma_wait3A_30] : memref<10000x16xf32, #tpu.memory_space<hbm>> -> memref<10000x16xf32, #tpu.memory_space<hbm>>
      tpu.wait_indirect_dma semaphore(%arg16 : memref<!tpu.dma_semaphore, #tpu.memory_space<semaphore_mem>>) src(%dma_wait3A_31 : memref<10000x16xf32, #tpu.memory_space<hbm>>) dst(%arg13 : memref<80x16xf32, #tpu.memory_space<vmem>>)
      %dma_start3A_32 = arith.constant 0 : i32
      %dma_start3A_33 = arith.constant 0 : i32
      %dma_start3A_34 = tpu.memref_slice %arg2[%dma_start3A_32, %dma_start3A_33] : memref<10000x64xf32, #tpu.memory_space<hbm>> -> memref<10000x64xf32, #tpu.memory_space<hbm>>
      tpu.enqueue_indirect_dma source(%dma_start3A_34 : memref<10000x64xf32, #tpu.memory_space<hbm>>) target(%arg14 : memref<80x64xf32, #tpu.memory_space<vmem>>) offsets(%arg10 : memref<80xi32, #tpu.memory_space<vmem>>) semaphore(%arg16 : memref<!tpu.dma_semaphore, #tpu.memory_space<semaphore_mem>>)
      %dma_wait3A_35 = arith.constant 0 : i32
      %dma_wait3A_36 = arith.constant 0 : i32
      %dma_wait3A_37 = tpu.memref_slice %arg2[%dma_wait3A_35, %dma_wait3A_36] : memref<10000x64xf32, #tpu.memory_space<hbm>> -> memref<10000x64xf32, #tpu.memory_space<hbm>>
      tpu.wait_indirect_dma semaphore(%arg16 : memref<!tpu.dma_semaphore, #tpu.memory_space<semaphore_mem>>) src(%dma_wait3A_37 : memref<10000x64xf32, #tpu.memory_space<hbm>>) dst(%arg14 : memref<80x64xf32, #tpu.memory_space<vmem>>)
      %scan3A_38 = arith.constant 0 : i32
      %scan3A_39 = arith.constant 0 : i32
      %scan3A_40 = arith.constant 80 : i32
      %scan3A_41 = arith.addi %scan3A_39, %scan3A_40 : i32
      %scan3A_42 = arith.constant 1 : i32
      scf.for %scan3A_44 = %scan3A_39 to %scan3A_41 step %scan3A_42  : i32 {
        %get3A = arith.index_cast %scan3A_44 : i32 to index
        %get3A_45 = arith.constant 0 : index
        %get3A_46 = tpu.vector_load %arg12[%get3A, %get3A_45] {strides = array<i32>} : memref<80x16xf32, #tpu.memory_space<vmem>>, vector<1x16xf32>,
        %get3A_47 = vector.shape_cast %get3A_46 : vector<1x16xf32> to vector<16xf32>
        %get3A_48 = arith.index_cast %scan3A_44 : i32 to index
        %get3A_49 = arith.constant 0 : index
        %get3A_50 = tpu.vector_load %arg13[%get3A_48, %get3A_49] {strides = array<i32>} : memref<80x16xf32, #tpu.memory_space<vmem>>, vector<1x16xf32>,
        %get3A_51 = vector.shape_cast %get3A_50 : vector<1x16xf32> to vector<16xf32>
        %add3A_52 = arith.addf %get3A_47, %get3A_51 : vector<16xf32>
        %ge3A = arith.constant 0.000000e+00 : f32
        %ge3A_53 = vector.broadcast %ge3A : f32 to vector<16xf32>
        %ge3A_54 = arith.cmpf oge, %add3A_52, %ge3A_53 : vector<16xf32>
        %mul3A_55 = arith.constant 2.000000e-01 : f32
        %mul3A_56 = vector.broadcast %mul3A_55 : f32 to vector<16xf32>
        %mul3A_57 = arith.mulf %mul3A_56, %add3A_52 : vector<16xf32>
        %select_n3A = arith.select %ge3A_54, %add3A_52, %mul3A_57 : vector<16xi1>, vector<16xf32>
        %exp3A = math.exp %select_n3A : vector<16xf32>
        %lt3A = arith.constant 1 : i32
        %lt3A_58 = vector.broadcast %lt3A : i32 to vector<16xi32>
        %lt3A_59 = arith.cmpi slt, %iota3A, %lt3A_58 : vector<16xi32>
        %broadcast_in_dim3A = arith.constant 0.000000e+00 : f32
        %broadcast_in_dim3A_60 = vector.broadcast %broadcast_in_dim3A : f32 to vector<16xf32>
        %select_n3A_61 = arith.select %lt3A_59, %exp3A, %broadcast_in_dim3A_60 : vector<16xi1>, vector<16xf32>
        %swap3A = arith.index_cast %scan3A_44 : i32 to index
        %swap3A_62 = arith.constant 64 : index
        %swap3A_63 = tpu.vector_load %arg15[%swap3A, %swap3A_62] {strides = array<i32>} : memref<80x80xf32, #tpu.memory_space<vmem>>, vector<1x16xf32>,
        %swap3A_64 = vector.shape_cast %swap3A_63 : vector<1x16xf32> to vector<16xf32>
        %swap3A_65 = vector.shape_cast %select_n3A_61 : vector<16xf32> to vector<1x16xf32>
        tpu.vector_store %arg15[%swap3A, %swap3A_62], %swap3A_65 {strides = array<i32>} : memref<80x80xf32, #tpu.memory_space<vmem>>, vector<1x16xf32>,
        %slice3A = vector.extract_strided_slice %exp3A {offsets = [0], sizes = [1], strides = [1]} : vector<16xf32> to vector<1xf32>
        %squeeze3A = vector.extract %slice3A[0] : f32 from vector<1xf32>
        %broadcast_in_dim3A_66 = vector.broadcast %squeeze3A : f32 to vector<16xf32>
        %get3A_67 = arith.index_cast %scan3A_44 : i32 to index
        %get3A_68 = arith.constant 0 : index
        %get3A_69 = tpu.vector_load %arg14[%get3A_67, %get3A_68] {strides = array<i32>} : memref<80x64xf32, #tpu.memory_space<vmem>>, vector<1x16xf32>,
        %get3A_70 = vector.shape_cast %get3A_69 : vector<1x16xf32> to vector<16xf32>
        %mul3A_71 = arith.mulf %get3A_70, %broadcast_in_dim3A_66 : vector<16xf32>
        %swap3A_72 = arith.index_cast %scan3A_44 : i32 to index
        %swap3A_73 = arith.constant 0 : index
        %swap3A_74 = tpu.vector_load %arg15[%swap3A_72, %swap3A_73] {strides = array<i32>} : memref<80x80xf32, #tpu.memory_space<vmem>>, vector<1x16xf32>,
        %swap3A_75 = vector.shape_cast %swap3A_74 : vector<1x16xf32> to vector<16xf32>
        %swap3A_76 = vector.shape_cast %mul3A_71 : vector<16xf32> to vector<1x16xf32>
        tpu.vector_store %arg15[%swap3A_72, %swap3A_73], %swap3A_76 {strides = array<i32>} : memref<80x80xf32, #tpu.memory_space<vmem>>, vector<1x16xf32>,
        %slice3A_77 = vector.extract_strided_slice %exp3A {offsets = [0], sizes = [1], strides = [1]} : vector<16xf32> to vector<1xf32>
        %squeeze3A_78 = vector.extract %slice3A_77[0] : f32 from vector<1xf32>
        %broadcast_in_dim3A_79 = vector.broadcast %squeeze3A_78 : f32 to vector<16xf32>
        %get3A_80 = arith.index_cast %scan3A_44 : i32 to index
        %get3A_81 = arith.constant 16 : index
        %get3A_82 = tpu.vector_load %arg14[%get3A_80, %get3A_81] {strides = array<i32>} : memref<80x64xf32, #tpu.memory_space<vmem>>, vector<1x16xf32>,
        %get3A_83 = vector.shape_cast %get3A_82 : vector<1x16xf32> to vector<16xf32>
        %mul3A_84 = arith.mulf %get3A_83, %broadcast_in_dim3A_79 : vector<16xf32>
        %swap3A_85 = arith.index_cast %scan3A_44 : i32 to index
        %swap3A_86 = arith.constant 16 : index
        %swap3A_87 = tpu.vector_load %arg15[%swap3A_85, %swap3A_86] {strides = array<i32>} : memref<80x80xf32, #tpu.memory_space<vmem>>, vector<1x16xf32>,
        %swap3A_88 = vector.shape_cast %swap3A_87 : vector<1x16xf32> to vector<16xf32>
        %swap3A_89 = vector.shape_cast %mul3A_84 : vector<16xf32> to vector<1x16xf32>
        tpu.vector_store %arg15[%swap3A_85, %swap3A_86], %swap3A_89 {strides = array<i32>} : memref<80x80xf32, #tpu.memory_space<vmem>>, vector<1x16xf32>,
        %slice3A_90 = vector.extract_strided_slice %exp3A {offsets = [0], sizes = [1], strides = [1]} : vector<16xf32> to vector<1xf32>
        %squeeze3A_91 = vector.extract %slice3A_90[0] : f32 from vector<1xf32>
        %broadcast_in_dim3A_92 = vector.broadcast %squeeze3A_91 : f32 to vector<16xf32>
        %get3A_93 = arith.index_cast %scan3A_44 : i32 to index
        %get3A_94 = arith.constant 32 : index
        %get3A_95 = tpu.vector_load %arg14[%get3A_93, %get3A_94] {strides = array<i32>} : memref<80x64xf32, #tpu.memory_space<vmem>>, vector<1x16xf32>,
        %get3A_96 = vector.shape_cast %get3A_95 : vector<1x16xf32> to vector<16xf32>
        %mul3A_97 = arith.mulf %get3A_96, %broadcast_in_dim3A_92 : vector<16xf32>
        %swap3A_98 = arith.index_cast %scan3A_44 : i32 to index
        %swap3A_99 = arith.constant 32 : index
        %swap3A_100 = tpu.vector_load %arg15[%swap3A_98, %swap3A_99] {strides = array<i32>} : memref<80x80xf32, #tpu.memory_space<vmem>>, vector<1x16xf32>,
        %swap3A_101 = vector.shape_cast %swap3A_100 : vector<1x16xf32> to vector<16xf32>
        %swap3A_102 = vector.shape_cast %mul3A_97 : vector<16xf32> to vector<1x16xf32>
        tpu.vector_store %arg15[%swap3A_98, %swap3A_99], %swap3A_102 {strides = array<i32>} : memref<80x80xf32, #tpu.memory_space<vmem>>, vector<1x16xf32>,
        %slice3A_103 = vector.extract_strided_slice %exp3A {offsets = [0], sizes = [1], strides = [1]} : vector<16xf32> to vector<1xf32>
        %squeeze3A_104 = vector.extract %slice3A_103[0] : f32 from vector<1xf32>
        %broadcast_in_dim3A_105 = vector.broadcast %squeeze3A_104 : f32 to vector<16xf32>
        %get3A_106 = arith.index_cast %scan3A_44 : i32 to index
        %get3A_107 = arith.constant 48 : index
        %get3A_108 = tpu.vector_load %arg14[%get3A_106, %get3A_107] {strides = array<i32>} : memref<80x64xf32, #tpu.memory_space<vmem>>, vector<1x16xf32>,
        %get3A_109 = vector.shape_cast %get3A_108 : vector<1x16xf32> to vector<16xf32>
        %mul3A_110 = arith.mulf %get3A_109, %broadcast_in_dim3A_105 : vector<16xf32>
        %swap3A_111 = arith.index_cast %scan3A_44 : i32 to index
        %swap3A_112 = arith.constant 48 : index
        %swap3A_113 = tpu.vector_load %arg15[%swap3A_111, %swap3A_112] {strides = array<i32>} : memref<80x80xf32, #tpu.memory_space<vmem>>, vector<1x16xf32>,
        %swap3A_114 = vector.shape_cast %swap3A_113 : vector<1x16xf32> to vector<16xf32>
        %swap3A_115 = vector.shape_cast %mul3A_110 : vector<16xf32> to vector<1x16xf32>
        tpu.vector_store %arg15[%swap3A_111, %swap3A_112], %swap3A_115 {strides = array<i32>} : memref<80x80xf32, #tpu.memory_space<vmem>>, vector<1x16xf32>,
      }
      %scan3A_43 = arith.constant 80 : i32
      "tpu.region"() ({
        %run_scoped3A = tpu.sem_alloc : memref<!tpu.dma_semaphore, #tpu.memory_space<semaphore_mem>>
        %dma_start3A_44 = arith.constant 0 : i32
        %dma_start3A_45 = arith.constant 0 : i32
        %dma_start3A_46 = tpu.memref_slice %arg9[%dma_start3A_44, %dma_start3A_45] : memref<10000x80xf32, #tpu.memory_space<vmem_shared>> -> memref<10000x80xf32, #tpu.memory_space<vmem_shared>>
        tpu.enqueue_indirect_dma source(%arg15 : memref<80x80xf32, #tpu.memory_space<vmem>>) target(%dma_start3A_46 : memref<10000x80xf32, #tpu.memory_space<vmem_shared>>) offsets(%arg11 : memref<80xi32, #tpu.memory_space<vmem>>) semaphore(%run_scoped3A : memref<!tpu.dma_semaphore, #tpu.memory_space<semaphore_mem>>) {add = true}
        %dma_wait3A_47 = arith.constant 0 : i32
        %dma_wait3A_48 = arith.constant 0 : i32
        %dma_wait3A_49 = tpu.memref_slice %arg9[%dma_wait3A_47, %dma_wait3A_48] : memref<10000x80xf32, #tpu.memory_space<vmem_shared>> -> memref<10000x80xf32, #tpu.memory_space<vmem_shared>>
        tpu.wait_indirect_dma semaphore(%run_scoped3A : memref<!tpu.dma_semaphore, #tpu.memory_space<semaphore_mem>>) src(%arg15 : memref<80x80xf32, #tpu.memory_space<vmem>>) dst(%dma_wait3A_49 : memref<10000x80xf32, #tpu.memory_space<vmem_shared>>)
        tpu.yield
      }) : () -> ()
    }
    %scan3A_9 = arith.constant 125 : i32
    %barrier3A_10 = arith.constant 0 : index
    tpu.barrier barrier_id(%barrier3A_10)
    "tpu.region"() ({
      %run_scoped3A = tpu.sem_alloc : memref<!tpu.dma_semaphore, #tpu.memory_space<semaphore_mem>>
      %dma_start3A = arith.constant 0 : i32
      %dma_start3A_16 = tpu.memref_slice %arg8[%arg0, %mul3A_2, %dma_start3A] : memref<2x10000x80xf32, #tpu.memory_space<hbm>> -> memref<1x624x80xf32, #tpu.memory_space<hbm>>
      %dma_start3A_17 = tpu.memref_squeeze %dma_start3A_16 : memref<1x624x80xf32, #tpu.memory_space<hbm>> -> memref<624x80xf32, #tpu.memory_space<hbm>>
      %dma_start3A_18 = arith.constant 0 : i32
      %dma_start3A_19 = tpu.memref_slice %arg9[%mul3A_2, %dma_start3A_18] : memref<10000x80xf32, #tpu.memory_space<vmem_shared>> -> memref<624x80xf32, #tpu.memory_space<vmem_shared>>
      tpu.enqueue_dma source(%dma_start3A_19 : memref<624x80xf32, #tpu.memory_space<vmem_shared>>) target(%dma_start3A_17 : memref<624x80xf32, #tpu.memory_space<hbm>>) target_semaphore(%run_scoped3A : memref<!tpu.dma_semaphore, #tpu.memory_space<semaphore_mem>>)
      %dma_wait3A = arith.constant 0 : i32
      %dma_wait3A_20 = tpu.memref_slice %arg8[%arg0, %mul3A_2, %dma_wait3A] : memref<2x10000x80xf32, #tpu.memory_space<hbm>> -> memref<1x624x80xf32, #tpu.memory_space<hbm>>
      %dma_wait3A_21 = tpu.memref_squeeze %dma_wait3A_20 : memref<1x624x80xf32, #tpu.memory_space<hbm>> -> memref<624x80xf32, #tpu.memory_space<hbm>>
      %dma_wait3A_22 = arith.constant 0 : i32
      %dma_wait3A_23 = tpu.memref_slice %arg9[%mul3A_2, %dma_wait3A_22] : memref<10000x80xf32, #tpu.memory_space<vmem_shared>> -> memref<624x80xf32, #tpu.memory_space<vmem_shared>>
      tpu.wait_dma2 semaphore(%run_scoped3A : memref<!tpu.dma_semaphore, #tpu.memory_space<semaphore_mem>>) src(%dma_wait3A_23 : memref<624x80xf32, #tpu.memory_space<vmem_shared>>) dst(%dma_wait3A_21 : memref<624x80xf32, #tpu.memory_space<hbm>>)
      tpu.yield
    }) : () -> ()
    %eq3A_11 = arith.constant 0 : i32
    %eq3A_12 = arith.cmpi eq, %arg1, %eq3A_11 : i32
    %convert_element_type3A_13 = arith.extui %eq3A_12 : i1 to i32
    %cond3A_14 = arith.constant 0 : i32
    %cond3A_15 = arith.cmpi ne, %convert_element_type3A_13, %cond3A_14 : i32
    scf.if %cond3A_15 {
      "tpu.region"() ({
        %run_scoped3A = tpu.sem_alloc : memref<!tpu.dma_semaphore, #tpu.memory_space<semaphore_mem>>
        %dma_start3A = arith.constant 9984 : i32
        %dma_start3A_16 = arith.constant 0 : i32
        %dma_start3A_17 = tpu.memref_slice %arg8[%arg0, %dma_start3A, %dma_start3A_16] : memref<2x10000x80xf32, #tpu.memory_space<hbm>> -> memref<1x16x80xf32, #tpu.memory_space<hbm>>
        %dma_start3A_18 = tpu.memref_squeeze %dma_start3A_17 : memref<1x16x80xf32, #tpu.memory_space<hbm>> -> memref<16x80xf32, #tpu.memory_space<hbm>>
        %dma_start3A_19 = arith.constant 9984 : i32
        %dma_start3A_20 = arith.constant 0 : i32
        %dma_start3A_21 = tpu.memref_slice %arg9[%dma_start3A_19, %dma_start3A_20] : memref<10000x80xf32, #tpu.memory_space<vmem_shared>> -> memref<16x80xf32, #tpu.memory_space<vmem_shared>>
        tpu.enqueue_dma source(%dma_start3A_21 : memref<16x80xf32, #tpu.memory_space<vmem_shared>>) target(%dma_start3A_18 : memref<16x80xf32, #tpu.memory_space<hbm>>) target_semaphore(%run_scoped3A : memref<!tpu.dma_semaphore, #tpu.memory_space<semaphore_mem>>)
        %dma_wait3A = arith.constant 9984 : i32
        %dma_wait3A_22 = arith.constant 0 : i32
        %dma_wait3A_23 = tpu.memref_slice %arg8[%arg0, %dma_wait3A, %dma_wait3A_22] : memref<2x10000x80xf32, #tpu.memory_space<hbm>> -> memref<1x16x80xf32, #tpu.memory_space<hbm>>
        %dma_wait3A_24 = tpu.memref_squeeze %dma_wait3A_23 : memref<1x16x80xf32, #tpu.memory_space<hbm>> -> memref<16x80xf32, #tpu.memory_space<hbm>>
        %dma_wait3A_25 = arith.constant 9984 : i32
        %dma_wait3A_26 = arith.constant 0 : i32
        %dma_wait3A_27 = tpu.memref_slice %arg9[%dma_wait3A_25, %dma_wait3A_26] : memref<10000x80xf32, #tpu.memory_space<vmem_shared>> -> memref<16x80xf32, #tpu.memory_space<vmem_shared>>
        tpu.wait_dma2 semaphore(%run_scoped3A : memref<!tpu.dma_semaphore, #tpu.memory_space<semaphore_mem>>) src(%dma_wait3A_27 : memref<16x80xf32, #tpu.memory_space<vmem_shared>>) dst(%dma_wait3A_24 : memref<16x80xf32, #tpu.memory_space<hbm>>)
        tpu.yield
      }) : () -> ()
    } else {
    }
    return
  }
}

module attributes {stable_mosaic.version = 14 : i64} {
  func.func @_tc_in_kernel(%arg0: i32, %arg1: memref<1000x128xf32, #tpu.memory_space<vmem>>, %arg2: memref<128x128xf32, #tpu.memory_space<vmem>>, %arg3: memref<128x16xf32, #tpu.memory_space<vmem>>, %arg4: memref<128x16xf32, #tpu.memory_space<vmem>>, %arg5: memref<1000x128xf32, #tpu.memory_space<vmem>>, %arg6: memref<1000x16xf32, #tpu.memory_space<vmem>>, %arg7: memref<1000x16xf32, #tpu.memory_space<vmem>>) attributes {dimension_semantics = [#tpu.dimension_semantics<arbitrary>], iteration_bounds = array<i64: 10>, scalar_prefetch = 0 : i64, scratch_operands = 0 : i64, tpu.core_type = #tpu.core_type<tc>, window_params = [{transform_indices = @transform_0, window_bounds = array<i64: 1000, 128>}, {pipeline_mode = #tpu.pipeline_mode<synchronous>, transform_indices = @transform_1, window_bounds = array<i64: 128, 128>}, {pipeline_mode = #tpu.pipeline_mode<synchronous>, transform_indices = @transform_2, window_bounds = array<i64: 128, 16>}, {pipeline_mode = #tpu.pipeline_mode<synchronous>, transform_indices = @transform_3, window_bounds = array<i64: 128, 16>}, {transform_indices = @transform_4, window_bounds = array<i64: 1000, 128>}, {transform_indices = @transform_5, window_bounds = array<i64: 1000, 16>}, {transform_indices = @transform_6, window_bounds = array<i64: 1000, 16>}]} {
    %get3A = arith.constant 0 : index
    %get3A_0 = arith.constant 0 : index
    %get3A_1 = vector.load %arg1[%get3A, %get3A_0] : memref<1000x128xf32, #tpu.memory_space<vmem>>, vector<1000x128xf32>
    %get3A_2 = arith.constant 0 : index
    %get3A_3 = arith.constant 0 : index
    %get3A_4 = vector.load %arg2[%get3A_2, %get3A_3] : memref<128x128xf32, #tpu.memory_space<vmem>>, vector<128x128xf32>
    %dot_general3A = arith.constant dense<0.000000e+00> : vector<1000x128xf32>
    %dot_general3A_5 = tpu.matmul %get3A_1, %get3A_4, %dot_general3A {dimension_numbers = #tpu.dot_dimension_numbers<[1], [0], [0], [1], [0, 0, 1, 1], [], []>, transpose_lhs_hint = false} : vector<1000x128xf32>, vector<128x128xf32>, vector<1000x128xf32> -> vector<1000x128xf32>
    %swap3A = arith.constant 0 : index
    %swap3A_6 = arith.constant 0 : index
    %swap3A_7 = vector.load %arg5[%swap3A, %swap3A_6] : memref<1000x128xf32, #tpu.memory_space<vmem>>, vector<1000x128xf32>
    tpu.vector_store %arg5[%swap3A, %swap3A_6], %dot_general3A_5 {strides = array<i32>} : memref<1000x128xf32, #tpu.memory_space<vmem>>, vector<1000x128xf32>,
    %get3A_8 = arith.constant 0 : index
    %get3A_9 = arith.constant 0 : index
    %get3A_10 = vector.load %arg3[%get3A_8, %get3A_9] : memref<128x16xf32, #tpu.memory_space<vmem>>, vector<128x16xf32>
    %dot_general3A_11 = arith.constant dense<0.000000e+00> : vector<1000x16xf32>
    %dot_general3A_12 = tpu.matmul %dot_general3A_5, %get3A_10, %dot_general3A_11 {dimension_numbers = #tpu.dot_dimension_numbers<[1], [0], [0], [1], [0, 0, 1, 1], [], []>, transpose_lhs_hint = false} : vector<1000x128xf32>, vector<128x16xf32>, vector<1000x16xf32> -> vector<1000x16xf32>
    %swap3A_13 = arith.constant 0 : index
    %swap3A_14 = arith.constant 0 : index
    %swap3A_15 = vector.load %arg6[%swap3A_13, %swap3A_14] : memref<1000x16xf32, #tpu.memory_space<vmem>>, vector<1000x16xf32>
    tpu.vector_store %arg6[%swap3A_13, %swap3A_14], %dot_general3A_12 {strides = array<i32>} : memref<1000x16xf32, #tpu.memory_space<vmem>>, vector<1000x16xf32>,
    %get3A_16 = arith.constant 0 : index
    %get3A_17 = arith.constant 0 : index
    %get3A_18 = vector.load %arg4[%get3A_16, %get3A_17] : memref<128x16xf32, #tpu.memory_space<vmem>>, vector<128x16xf32>
    %dot_general3A_19 = arith.constant dense<0.000000e+00> : vector<1000x16xf32>
    %dot_general3A_20 = tpu.matmul %dot_general3A_5, %get3A_18, %dot_general3A_19 {dimension_numbers = #tpu.dot_dimension_numbers<[1], [0], [0], [1], [0, 0, 1, 1], [], []>, transpose_lhs_hint = false} : vector<1000x128xf32>, vector<128x16xf32>, vector<1000x16xf32> -> vector<1000x16xf32>
    %swap3A_21 = arith.constant 0 : index
    %swap3A_22 = arith.constant 0 : index
    %swap3A_23 = vector.load %arg7[%swap3A_21, %swap3A_22] : memref<1000x16xf32, #tpu.memory_space<vmem>>, vector<1000x16xf32>
    tpu.vector_store %arg7[%swap3A_21, %swap3A_22], %dot_general3A_20 {strides = array<i32>} : memref<1000x16xf32, #tpu.memory_space<vmem>>, vector<1000x16xf32>,
    return
  }
  func.func @transform_0(%arg0: i32) -> (i32, i32) {
    %c0_i32 = arith.constant 0 : i32
    %c0_i32_0 = arith.constant 0 : i32
    return %arg0, %c0_i32 : i32, i32
  }
  func.func @transform_1(%arg0: i32) -> (i32, i32) {
    %c0_i32 = arith.constant 0 : i32
    %c0_i32_0 = arith.constant 0 : i32
    %c0_i32_1 = arith.constant 0 : i32
    return %c0_i32, %c0_i32_0 : i32, i32
  }
  func.func @transform_2(%arg0: i32) -> (i32, i32) {
    %c0_i32 = arith.constant 0 : i32
    %c0_i32_0 = arith.constant 0 : i32
    %c0_i32_1 = arith.constant 0 : i32
    return %c0_i32, %c0_i32_0 : i32, i32
  }
  func.func @transform_3(%arg0: i32) -> (i32, i32) {
    %c0_i32 = arith.constant 0 : i32
    %c0_i32_0 = arith.constant 0 : i32
    %c0_i32_1 = arith.constant 0 : i32
    return %c0_i32, %c0_i32_0 : i32, i32
  }
  func.func @transform_4(%arg0: i32) -> (i32, i32) {
    %c0_i32 = arith.constant 0 : i32
    %c0_i32_0 = arith.constant 0 : i32
    return %arg0, %c0_i32 : i32, i32
  }
  func.func @transform_5(%arg0: i32) -> (i32, i32) {
    %c0_i32 = arith.constant 0 : i32
    %c0_i32_0 = arith.constant 0 : i32
    return %arg0, %c0_i32 : i32, i32
  }
  func.func @transform_6(%arg0: i32) -> (i32, i32) {
    %c0_i32 = arith.constant 0 : i32
    %c0_i32_0 = arith.constant 0 : i32
    return %arg0, %c0_i32 : i32, i32
  }
}

module attributes {stable_mosaic.version = 14 : i64} {
  func.func @_tc_stats_kernel(%arg0: i32, %arg1: memref<2x1000x144xf32, #tpu.memory_space<vmem>>, %arg2: memref<144x128xf32, #tpu.memory_space<vmem>>, %arg3: memref<144x128xf32, #tpu.memory_space<vmem>>, %arg4: memref<1x128xf32, #tpu.memory_space<vmem>>, %arg5: memref<1x128xf32, #tpu.memory_space<vmem>>, %arg6: memref<1x128xf32, #tpu.memory_space<vmem>>) attributes {dimension_semantics = [#tpu.dimension_semantics<arbitrary>], iteration_bounds = array<i64: 10>, scalar_prefetch = 0 : i64, scratch_operands = 0 : i64, tpu.core_type = #tpu.core_type<tc>, window_params = [{transform_indices = @transform_0, window_bounds = array<i64: 2, 1000, 144>}, {pipeline_mode = #tpu.pipeline_mode<synchronous>, transform_indices = @transform_1, window_bounds = array<i64: 144, 128>}, {pipeline_mode = #tpu.pipeline_mode<synchronous>, transform_indices = @transform_2, window_bounds = array<i64: 144, 128>}, {pipeline_mode = #tpu.pipeline_mode<synchronous>, transform_indices = @transform_3, window_bounds = array<i64: 1, 128>}, {pipeline_mode = #tpu.pipeline_mode<synchronous>, transform_indices = @transform_4, window_bounds = array<i64: 1, 128>}, {pipeline_mode = #tpu.pipeline_mode<synchronous>, transform_indices = @transform_5, window_bounds = array<i64: 1, 128>}]} {
    %get3A = arith.constant 0 : index
    %get3A_0 = arith.constant 0 : index
    %get3A_1 = arith.constant 0 : index
    %get3A_2 = vector.load %arg1[%get3A, %get3A_0, %get3A_1] : memref<2x1000x144xf32, #tpu.memory_space<vmem>>, vector<1x1000x144xf32>
    %get3A_3 = vector.shape_cast %get3A_2 : vector<1x1000x144xf32> to vector<1000x144xf32>
    %get3A_4 = arith.constant 1 : index
    %get3A_5 = arith.constant 0 : index
    %get3A_6 = arith.constant 0 : index
    %get3A_7 = vector.load %arg1[%get3A_4, %get3A_5, %get3A_6] : memref<2x1000x144xf32, #tpu.memory_space<vmem>>, vector<1x1000x144xf32>
    %get3A_8 = vector.shape_cast %get3A_7 : vector<1x1000x144xf32> to vector<1000x144xf32>
    %add3A = arith.addf %get3A_3, %get3A_8 : vector<1000x144xf32>
    %get3A_9 = arith.constant 0 : index
    %get3A_10 = arith.constant 0 : index
    %get3A_11 = vector.load %arg2[%get3A_9, %get3A_10] : memref<144x128xf32, #tpu.memory_space<vmem>>, vector<144x128xf32>
    %dot_general3A = arith.constant dense<0.000000e+00> : vector<1000x128xf32>
    %dot_general3A_12 = tpu.matmul %add3A, %get3A_11, %dot_general3A {dimension_numbers = #tpu.dot_dimension_numbers<[1], [0], [0], [1], [0, 0, 1, 1], [], []>, transpose_lhs_hint = false} : vector<1000x144xf32>, vector<144x128xf32>, vector<1000x128xf32> -> vector<1000x128xf32>
    %get3A_13 = arith.constant 0 : index
    %get3A_14 = arith.constant 0 : index
    %get3A_15 = vector.load %arg3[%get3A_13, %get3A_14] : memref<144x128xf32, #tpu.memory_space<vmem>>, vector<144x128xf32>
    %dot_general3A_16 = arith.constant dense<0.000000e+00> : vector<1000x128xf32>
    %dot_general3A_17 = tpu.matmul %add3A, %get3A_15, %dot_general3A_16 {dimension_numbers = #tpu.dot_dimension_numbers<[1], [0], [0], [1], [0, 0, 1, 1], [], []>, transpose_lhs_hint = false} : vector<1000x144xf32>, vector<144x128xf32>, vector<1000x128xf32> -> vector<1000x128xf32>
    %add3A_18 = arith.constant 1.000000e-16 : f32
    %add3A_19 = vector.broadcast %add3A_18 : f32 to vector<1000x128xf32>
    %add3A_20 = arith.addf %dot_general3A_17, %add3A_19 : vector<1000x128xf32>
    %div3A = arith.divf %dot_general3A_12, %add3A_20 : vector<1000x128xf32>
    %get3A_21 = arith.constant 0 : index
    %get3A_22 = arith.constant 0 : index
    %get3A_23 = vector.load %arg4[%get3A_21, %get3A_22] : memref<1x128xf32, #tpu.memory_space<vmem>>, vector<1x128xf32>
    %add3A_24 = vector.broadcast %get3A_23 : vector<1x128xf32> to vector<1000x128xf32>
    %add3A_25 = arith.addf %div3A, %add3A_24 : vector<1000x128xf32>
    %eq3A = arith.constant 0 : i32
    %eq3A_26 = arith.cmpi eq, %arg0, %eq3A : i32
    %convert_element_type3A = arith.extui %eq3A_26 : i1 to i32
    %cond3A = arith.constant 0 : i32
    %cond3A_27 = arith.cmpi ne, %convert_element_type3A, %cond3A : i32
    scf.if %cond3A_27 {
      %broadcast_in_dim3A_45 = arith.constant 0.000000e+00 : f32
      %broadcast_in_dim3A_46 = vector.broadcast %broadcast_in_dim3A_45 : f32 to vector<1x128xf32>
      %swap3A_47 = arith.constant 0 : index
      %swap3A_48 = arith.constant 0 : index
      %swap3A_49 = vector.load %arg5[%swap3A_47, %swap3A_48] : memref<1x128xf32, #tpu.memory_space<vmem>>, vector<1x128xf32>
      tpu.vector_store %arg5[%swap3A_47, %swap3A_48], %broadcast_in_dim3A_46 {strides = array<i32>} : memref<1x128xf32, #tpu.memory_space<vmem>>, vector<1x128xf32>,
      %broadcast_in_dim3A_50 = arith.constant 0.000000e+00 : f32
      %broadcast_in_dim3A_51 = vector.broadcast %broadcast_in_dim3A_50 : f32 to vector<1x128xf32>
      %swap3A_52 = arith.constant 0 : index
      %swap3A_53 = arith.constant 0 : index
      %swap3A_54 = vector.load %arg6[%swap3A_52, %swap3A_53] : memref<1x128xf32, #tpu.memory_space<vmem>>, vector<1x128xf32>
      tpu.vector_store %arg6[%swap3A_52, %swap3A_53], %broadcast_in_dim3A_51 {strides = array<i32>} : memref<1x128xf32, #tpu.memory_space<vmem>>, vector<1x128xf32>,
    } else {
    }
    %get3A_28 = arith.constant 0 : index
    %get3A_29 = arith.constant 0 : index
    %get3A_30 = vector.load %arg5[%get3A_28, %get3A_29] : memref<1x128xf32, #tpu.memory_space<vmem>>, vector<1x128xf32>
    %reduce_sum3A = arith.constant dense<0.000000e+00> : vector<128xf32>
    %reduce_sum3A_31 = vector.multi_reduction <add>, %add3A_25, %reduce_sum3A [0] : vector<1000x128xf32> to vector<128xf32>
    %broadcast_in_dim3A = vector.shape_cast %reduce_sum3A_31 : vector<128xf32> to vector<1x128xf32>
    %add3A_32 = arith.addf %get3A_30, %broadcast_in_dim3A : vector<1x128xf32>
    %swap3A = arith.constant 0 : index
    %swap3A_33 = arith.constant 0 : index
    %swap3A_34 = vector.load %arg5[%swap3A, %swap3A_33] : memref<1x128xf32, #tpu.memory_space<vmem>>, vector<1x128xf32>
    tpu.vector_store %arg5[%swap3A, %swap3A_33], %add3A_32 {strides = array<i32>} : memref<1x128xf32, #tpu.memory_space<vmem>>, vector<1x128xf32>,
    %get3A_35 = arith.constant 0 : index
    %get3A_36 = arith.constant 0 : index
    %get3A_37 = vector.load %arg6[%get3A_35, %get3A_36] : memref<1x128xf32, #tpu.memory_space<vmem>>, vector<1x128xf32>
    %mul3A = arith.mulf %add3A_25, %add3A_25 : vector<1000x128xf32>
    %reduce_sum3A_38 = arith.constant dense<0.000000e+00> : vector<128xf32>
    %reduce_sum3A_39 = vector.multi_reduction <add>, %mul3A, %reduce_sum3A_38 [0] : vector<1000x128xf32> to vector<128xf32>
    %broadcast_in_dim3A_40 = vector.shape_cast %reduce_sum3A_39 : vector<128xf32> to vector<1x128xf32>
    %add3A_41 = arith.addf %get3A_37, %broadcast_in_dim3A_40 : vector<1x128xf32>
    %swap3A_42 = arith.constant 0 : index
    %swap3A_43 = arith.constant 0 : index
    %swap3A_44 = vector.load %arg6[%swap3A_42, %swap3A_43] : memref<1x128xf32, #tpu.memory_space<vmem>>, vector<1x128xf32>
    tpu.vector_store %arg6[%swap3A_42, %swap3A_43], %add3A_41 {strides = array<i32>} : memref<1x128xf32, #tpu.memory_space<vmem>>, vector<1x128xf32>,
    return
  }
  func.func @transform_0(%arg0: i32) -> (i32, i32, i32) {
    %c0_i32 = arith.constant 0 : i32
    %c0_i32_0 = arith.constant 0 : i32
    %c0_i32_1 = arith.constant 0 : i32
    return %c0_i32, %arg0, %c0_i32_0 : i32, i32, i32
  }
  func.func @transform_1(%arg0: i32) -> (i32, i32) {
    %c0_i32 = arith.constant 0 : i32
    %c0_i32_0 = arith.constant 0 : i32
    %c0_i32_1 = arith.constant 0 : i32
    return %c0_i32, %c0_i32_0 : i32, i32
  }
  func.func @transform_2(%arg0: i32) -> (i32, i32) {
    %c0_i32 = arith.constant 0 : i32
    %c0_i32_0 = arith.constant 0 : i32
    %c0_i32_1 = arith.constant 0 : i32
    return %c0_i32, %c0_i32_0 : i32, i32
  }
  func.func @transform_3(%arg0: i32) -> (i32, i32) {
    %c0_i32 = arith.constant 0 : i32
    %c0_i32_0 = arith.constant 0 : i32
    %c0_i32_1 = arith.constant 0 : i32
    return %c0_i32, %c0_i32_0 : i32, i32
  }
  func.func @transform_4(%arg0: i32) -> (i32, i32) {
    %c0_i32 = arith.constant 0 : i32
    %c0_i32_0 = arith.constant 0 : i32
    %c0_i32_1 = arith.constant 0 : i32
    return %c0_i32, %c0_i32_0 : i32, i32
  }
  func.func @transform_5(%arg0: i32) -> (i32, i32) {
    %c0_i32 = arith.constant 0 : i32
    %c0_i32_0 = arith.constant 0 : i32
    %c0_i32_1 = arith.constant 0 : i32
    return %c0_i32, %c0_i32_0 : i32, i32
  }
}

module attributes {stable_mosaic.version = 14 : i64} {
  func.func @_tc_mid_kernel(%arg0: i32, %arg1: memref<2x1000x144xf32, #tpu.memory_space<vmem>>, %arg2: memref<144x128xf32, #tpu.memory_space<vmem>>, %arg3: memref<144x128xf32, #tpu.memory_space<vmem>>, %arg4: memref<1x128xf32, #tpu.memory_space<vmem>>, %arg5: memref<1x128xf32, #tpu.memory_space<vmem>>, %arg6: memref<1x128xf32, #tpu.memory_space<vmem>>, %arg7: memref<128x64xf32, #tpu.memory_space<vmem>>, %arg8: memref<64x16xf32, #tpu.memory_space<vmem>>, %arg9: memref<64x16xf32, #tpu.memory_space<vmem>>, %arg10: memref<1x128xf32, #tpu.memory_space<vmem>>, %arg11: memref<1x128xf32, #tpu.memory_space<vmem>>, %arg12: memref<1000x64xf32, #tpu.memory_space<vmem>>, %arg13: memref<1000x16xf32, #tpu.memory_space<vmem>>, %arg14: memref<1000x16xf32, #tpu.memory_space<vmem>>) attributes {dimension_semantics = [#tpu.dimension_semantics<arbitrary>], iteration_bounds = array<i64: 10>, scalar_prefetch = 0 : i64, scratch_operands = 0 : i64, tpu.core_type = #tpu.core_type<tc>, window_params = [{transform_indices = @transform_0, window_bounds = array<i64: 2, 1000, 144>}, {pipeline_mode = #tpu.pipeline_mode<synchronous>, transform_indices = @transform_1, window_bounds = array<i64: 144, 128>}, {pipeline_mode = #tpu.pipeline_mode<synchronous>, transform_indices = @transform_2, window_bounds = array<i64: 144, 128>}, {pipeline_mode = #tpu.pipeline_mode<synchronous>, transform_indices = @transform_3, window_bounds = array<i64: 1, 128>}, {pipeline_mode = #tpu.pipeline_mode<synchronous>, transform_indices = @transform_4, window_bounds = array<i64: 1, 128>}, {pipeline_mode = #tpu.pipeline_mode<synchronous>, transform_indices = @transform_5, window_bounds = array<i64: 1, 128>}, {pipeline_mode = #tpu.pipeline_mode<synchronous>, transform_indices = @transform_6, window_bounds = array<i64: 128, 64>}, {pipeline_mode = #tpu.pipeline_mode<synchronous>, transform_indices = @transform_7, window_bounds = array<i64: 64, 16>}, {pipeline_mode = #tpu.pipeline_mode<synchronous>, transform_indices = @transform_8, window_bounds = array<i64: 64, 16>}, {pipeline_mode = #tpu.pipeline_mode<synchronous>, transform_indices = @transform_9, window_bounds = array<i64: 1, 128>}, {pipeline_mode = #tpu.pipeline_mode<synchronous>, transform_indices = @transform_10, window_bounds = array<i64: 1, 128>}, {transform_indices = @transform_11, window_bounds = array<i64: 1000, 64>}, {transform_indices = @transform_12, window_bounds = array<i64: 1000, 16>}, {transform_indices = @transform_13, window_bounds = array<i64: 1000, 16>}]} {
    %get3A = arith.constant 0 : index
    %get3A_0 = arith.constant 0 : index
    %get3A_1 = arith.constant 0 : index
    %get3A_2 = vector.load %arg1[%get3A, %get3A_0, %get3A_1] : memref<2x1000x144xf32, #tpu.memory_space<vmem>>, vector<1x1000x144xf32>
    %get3A_3 = vector.shape_cast %get3A_2 : vector<1x1000x144xf32> to vector<1000x144xf32>
    %get3A_4 = arith.constant 1 : index
    %get3A_5 = arith.constant 0 : index
    %get3A_6 = arith.constant 0 : index
    %get3A_7 = vector.load %arg1[%get3A_4, %get3A_5, %get3A_6] : memref<2x1000x144xf32, #tpu.memory_space<vmem>>, vector<1x1000x144xf32>
    %get3A_8 = vector.shape_cast %get3A_7 : vector<1x1000x144xf32> to vector<1000x144xf32>
    %add3A = arith.addf %get3A_3, %get3A_8 : vector<1000x144xf32>
    %get3A_9 = arith.constant 0 : index
    %get3A_10 = arith.constant 0 : index
    %get3A_11 = vector.load %arg2[%get3A_9, %get3A_10] : memref<144x128xf32, #tpu.memory_space<vmem>>, vector<144x128xf32>
    %dot_general3A = arith.constant dense<0.000000e+00> : vector<1000x128xf32>
    %dot_general3A_12 = tpu.matmul %add3A, %get3A_11, %dot_general3A {dimension_numbers = #tpu.dot_dimension_numbers<[1], [0], [0], [1], [0, 0, 1, 1], [], []>, transpose_lhs_hint = false} : vector<1000x144xf32>, vector<144x128xf32>, vector<1000x128xf32> -> vector<1000x128xf32>
    %get3A_13 = arith.constant 0 : index
    %get3A_14 = arith.constant 0 : index
    %get3A_15 = vector.load %arg3[%get3A_13, %get3A_14] : memref<144x128xf32, #tpu.memory_space<vmem>>, vector<144x128xf32>
    %dot_general3A_16 = arith.constant dense<0.000000e+00> : vector<1000x128xf32>
    %dot_general3A_17 = tpu.matmul %add3A, %get3A_15, %dot_general3A_16 {dimension_numbers = #tpu.dot_dimension_numbers<[1], [0], [0], [1], [0, 0, 1, 1], [], []>, transpose_lhs_hint = false} : vector<1000x144xf32>, vector<144x128xf32>, vector<1000x128xf32> -> vector<1000x128xf32>
    %add3A_18 = arith.constant 1.000000e-16 : f32
    %add3A_19 = vector.broadcast %add3A_18 : f32 to vector<1000x128xf32>
    %add3A_20 = arith.addf %dot_general3A_17, %add3A_19 : vector<1000x128xf32>
    %div3A = arith.divf %dot_general3A_12, %add3A_20 : vector<1000x128xf32>
    %get3A_21 = arith.constant 0 : index
    %get3A_22 = arith.constant 0 : index
    %get3A_23 = vector.load %arg4[%get3A_21, %get3A_22] : memref<1x128xf32, #tpu.memory_space<vmem>>, vector<1x128xf32>
    %add3A_24 = vector.broadcast %get3A_23 : vector<1x128xf32> to vector<1000x128xf32>
    %add3A_25 = arith.addf %div3A, %add3A_24 : vector<1000x128xf32>
    %get3A_26 = arith.constant 0 : index
    %get3A_27 = arith.constant 0 : index
    %get3A_28 = vector.load %arg10[%get3A_26, %get3A_27] : memref<1x128xf32, #tpu.memory_space<vmem>>, vector<1x128xf32>
    %div3A_29 = arith.constant 1.000000e+04 : f32
    %div3A_30 = vector.broadcast %div3A_29 : f32 to vector<1x128xf32>
    %div3A_31 = arith.divf %get3A_28, %div3A_30 : vector<1x128xf32>
    %get3A_32 = arith.constant 0 : index
    %get3A_33 = arith.constant 0 : index
    %get3A_34 = vector.load %arg11[%get3A_32, %get3A_33] : memref<1x128xf32, #tpu.memory_space<vmem>>, vector<1x128xf32>
    %div3A_35 = arith.constant 1.000000e+04 : f32
    %div3A_36 = vector.broadcast %div3A_35 : f32 to vector<1x128xf32>
    %div3A_37 = arith.divf %get3A_34, %div3A_36 : vector<1x128xf32>
    %mul3A = arith.mulf %div3A_31, %div3A_31 : vector<1x128xf32>
    %sub3A = arith.subf %div3A_37, %mul3A : vector<1x128xf32>
    %sub3A_38 = vector.broadcast %div3A_31 : vector<1x128xf32> to vector<1000x128xf32>
    %sub3A_39 = arith.subf %add3A_25, %sub3A_38 : vector<1000x128xf32>
    %abs3A = math.absf %sub3A : vector<1x128xf32>
    %add3A_40 = arith.constant 9.99999974E-6 : f32
    %add3A_41 = vector.broadcast %add3A_40 : f32 to vector<1x128xf32>
    %add3A_42 = arith.addf %abs3A, %add3A_41 : vector<1x128xf32>
    %rsqrt3A = math.rsqrt %add3A_42 : vector<1x128xf32>
    %mul3A_43 = vector.broadcast %rsqrt3A : vector<1x128xf32> to vector<1000x128xf32>
    %mul3A_44 = arith.mulf %sub3A_39, %mul3A_43 : vector<1000x128xf32>
    %get3A_45 = arith.constant 0 : index
    %get3A_46 = arith.constant 0 : index
    %get3A_47 = vector.load %arg5[%get3A_45, %get3A_46] : memref<1x128xf32, #tpu.memory_space<vmem>>, vector<1x128xf32>
    %mul3A_48 = vector.broadcast %get3A_47 : vector<1x128xf32> to vector<1000x128xf32>
    %mul3A_49 = arith.mulf %mul3A_44, %mul3A_48 : vector<1000x128xf32>
    %get3A_50 = arith.constant 0 : index
    %get3A_51 = arith.constant 0 : index
    %get3A_52 = vector.load %arg6[%get3A_50, %get3A_51] : memref<1x128xf32, #tpu.memory_space<vmem>>, vector<1x128xf32>
    %add3A_53 = vector.broadcast %get3A_52 : vector<1x128xf32> to vector<1000x128xf32>
    %add3A_54 = arith.addf %mul3A_49, %add3A_53 : vector<1000x128xf32>
    %gt3A = arith.constant 0.000000e+00 : f32
    %gt3A_55 = vector.broadcast %gt3A : f32 to vector<1000x128xf32>
    %gt3A_56 = arith.cmpf ogt, %add3A_54, %gt3A_55 : vector<1000x128xf32>
    %exp3A = math.exp %add3A_54 : vector<1000x128xf32>
    %sub3A_57 = arith.constant 1.000000e+00 : f32
    %sub3A_58 = vector.broadcast %sub3A_57 : f32 to vector<1000x128xf32>
    %sub3A_59 = arith.subf %exp3A, %sub3A_58 : vector<1000x128xf32>
    %select_n3A = arith.select %gt3A_56, %add3A_54, %sub3A_59 : vector<1000x128xi1>, vector<1000x128xf32>
    %get3A_60 = arith.constant 0 : index
    %get3A_61 = arith.constant 0 : index
    %get3A_62 = vector.load %arg7[%get3A_60, %get3A_61] : memref<128x64xf32, #tpu.memory_space<vmem>>, vector<128x64xf32>
    %dot_general3A_63 = arith.constant dense<0.000000e+00> : vector<1000x64xf32>
    %dot_general3A_64 = tpu.matmul %select_n3A, %get3A_62, %dot_general3A_63 {dimension_numbers = #tpu.dot_dimension_numbers<[1], [0], [0], [1], [0, 0, 1, 1], [], []>, transpose_lhs_hint = false} : vector<1000x128xf32>, vector<128x64xf32>, vector<1000x64xf32> -> vector<1000x64xf32>
    %swap3A = arith.constant 0 : index
    %swap3A_65 = arith.constant 0 : index
    %swap3A_66 = vector.load %arg12[%swap3A, %swap3A_65] : memref<1000x64xf32, #tpu.memory_space<vmem>>, vector<1000x64xf32>
    tpu.vector_store %arg12[%swap3A, %swap3A_65], %dot_general3A_64 {strides = array<i32>} : memref<1000x64xf32, #tpu.memory_space<vmem>>, vector<1000x64xf32>,
    %get3A_67 = arith.constant 0 : index
    %get3A_68 = arith.constant 0 : index
    %get3A_69 = vector.load %arg8[%get3A_67, %get3A_68] : memref<64x16xf32, #tpu.memory_space<vmem>>, vector<64x16xf32>
    %dot_general3A_70 = arith.constant dense<0.000000e+00> : vector<1000x16xf32>
    %dot_general3A_71 = tpu.matmul %dot_general3A_64, %get3A_69, %dot_general3A_70 {dimension_numbers = #tpu.dot_dimension_numbers<[1], [0], [0], [1], [0, 0, 1, 1], [], []>, transpose_lhs_hint = false} : vector<1000x64xf32>, vector<64x16xf32>, vector<1000x16xf32> -> vector<1000x16xf32>
    %swap3A_72 = arith.constant 0 : index
    %swap3A_73 = arith.constant 0 : index
    %swap3A_74 = vector.load %arg13[%swap3A_72, %swap3A_73] : memref<1000x16xf32, #tpu.memory_space<vmem>>, vector<1000x16xf32>
    tpu.vector_store %arg13[%swap3A_72, %swap3A_73], %dot_general3A_71 {strides = array<i32>} : memref<1000x16xf32, #tpu.memory_space<vmem>>, vector<1000x16xf32>,
    %get3A_75 = arith.constant 0 : index
    %get3A_76 = arith.constant 0 : index
    %get3A_77 = vector.load %arg9[%get3A_75, %get3A_76] : memref<64x16xf32, #tpu.memory_space<vmem>>, vector<64x16xf32>
    %dot_general3A_78 = arith.constant dense<0.000000e+00> : vector<1000x16xf32>
    %dot_general3A_79 = tpu.matmul %dot_general3A_64, %get3A_77, %dot_general3A_78 {dimension_numbers = #tpu.dot_dimension_numbers<[1], [0], [0], [1], [0, 0, 1, 1], [], []>, transpose_lhs_hint = false} : vector<1000x64xf32>, vector<64x16xf32>, vector<1000x16xf32> -> vector<1000x16xf32>
    %swap3A_80 = arith.constant 0 : index
    %swap3A_81 = arith.constant 0 : index
    %swap3A_82 = vector.load %arg14[%swap3A_80, %swap3A_81] : memref<1000x16xf32, #tpu.memory_space<vmem>>, vector<1000x16xf32>
    tpu.vector_store %arg14[%swap3A_80, %swap3A_81], %dot_general3A_79 {strides = array<i32>} : memref<1000x16xf32, #tpu.memory_space<vmem>>, vector<1000x16xf32>,
    return
  }
  func.func @transform_0(%arg0: i32) -> (i32, i32, i32) {
    %c0_i32 = arith.constant 0 : i32
    %c0_i32_0 = arith.constant 0 : i32
    %c0_i32_1 = arith.constant 0 : i32
    return %c0_i32, %arg0, %c0_i32_0 : i32, i32, i32
  }
  func.func @transform_1(%arg0: i32) -> (i32, i32) {
    %c0_i32 = arith.constant 0 : i32
    %c0_i32_0 = arith.constant 0 : i32
    %c0_i32_1 = arith.constant 0 : i32
    return %c0_i32, %c0_i32_0 : i32, i32
  }
  func.func @transform_2(%arg0: i32) -> (i32, i32) {
    %c0_i32 = arith.constant 0 : i32
    %c0_i32_0 = arith.constant 0 : i32
    %c0_i32_1 = arith.constant 0 : i32
    return %c0_i32, %c0_i32_0 : i32, i32
  }
  func.func @transform_3(%arg0: i32) -> (i32, i32) {
    %c0_i32 = arith.constant 0 : i32
    %c0_i32_0 = arith.constant 0 : i32
    %c0_i32_1 = arith.constant 0 : i32
    return %c0_i32, %c0_i32_0 : i32, i32
  }
  func.func @transform_4(%arg0: i32) -> (i32, i32) {
    %c0_i32 = arith.constant 0 : i32
    %c0_i32_0 = arith.constant 0 : i32
    %c0_i32_1 = arith.constant 0 : i32
    return %c0_i32, %c0_i32_0 : i32, i32
  }
  func.func @transform_5(%arg0: i32) -> (i32, i32) {
    %c0_i32 = arith.constant 0 : i32
    %c0_i32_0 = arith.constant 0 : i32
    %c0_i32_1 = arith.constant 0 : i32
    return %c0_i32, %c0_i32_0 : i32, i32
  }
  func.func @transform_6(%arg0: i32) -> (i32, i32) {
    %c0_i32 = arith.constant 0 : i32
    %c0_i32_0 = arith.constant 0 : i32
    %c0_i32_1 = arith.constant 0 : i32
    return %c0_i32, %c0_i32_0 : i32, i32
  }
  func.func @transform_7(%arg0: i32) -> (i32, i32) {
    %c0_i32 = arith.constant 0 : i32
    %c0_i32_0 = arith.constant 0 : i32
    %c0_i32_1 = arith.constant 0 : i32
    return %c0_i32, %c0_i32_0 : i32, i32
  }
  func.func @transform_8(%arg0: i32) -> (i32, i32) {
    %c0_i32 = arith.constant 0 : i32
    %c0_i32_0 = arith.constant 0 : i32
    %c0_i32_1 = arith.constant 0 : i32
    return %c0_i32, %c0_i32_0 : i32, i32
  }
  func.func @transform_9(%arg0: i32) -> (i32, i32) {
    %c0_i32 = arith.constant 0 : i32
    %c0_i32_0 = arith.constant 0 : i32
    %c0_i32_1 = arith.constant 0 : i32
    return %c0_i32, %c0_i32_0 : i32, i32
  }
  func.func @transform_10(%arg0: i32) -> (i32, i32) {
    %c0_i32 = arith.constant 0 : i32
    %c0_i32_0 = arith.constant 0 : i32
    %c0_i32_1 = arith.constant 0 : i32
    return %c0_i32, %c0_i32_0 : i32, i32
  }
  func.func @transform_11(%arg0: i32) -> (i32, i32) {
    %c0_i32 = arith.constant 0 : i32
    %c0_i32_0 = arith.constant 0 : i32
    return %arg0, %c0_i32 : i32, i32
  }
  func.func @transform_12(%arg0: i32) -> (i32, i32) {
    %c0_i32 = arith.constant 0 : i32
    %c0_i32_0 = arith.constant 0 : i32
    return %arg0, %c0_i32 : i32, i32
  }
  func.func @transform_13(%arg0: i32) -> (i32, i32) {
    %c0_i32 = arith.constant 0 : i32
    %c0_i32_0 = arith.constant 0 : i32
    return %arg0, %c0_i32 : i32, i32
  }
}

module attributes {stable_mosaic.version = 14 : i64} {
  func.func @_tc_stats_kernel(%arg0: i32, %arg1: memref<2x1000x80xf32, #tpu.memory_space<vmem>>, %arg2: memref<80x64xf32, #tpu.memory_space<vmem>>, %arg3: memref<80x64xf32, #tpu.memory_space<vmem>>, %arg4: memref<1x64xf32, #tpu.memory_space<vmem>>, %arg5: memref<1x64xf32, #tpu.memory_space<vmem>>, %arg6: memref<1x64xf32, #tpu.memory_space<vmem>>) attributes {dimension_semantics = [#tpu.dimension_semantics<arbitrary>], iteration_bounds = array<i64: 10>, scalar_prefetch = 0 : i64, scratch_operands = 0 : i64, tpu.core_type = #tpu.core_type<tc>, window_params = [{transform_indices = @transform_0, window_bounds = array<i64: 2, 1000, 80>}, {pipeline_mode = #tpu.pipeline_mode<synchronous>, transform_indices = @transform_1, window_bounds = array<i64: 80, 64>}, {pipeline_mode = #tpu.pipeline_mode<synchronous>, transform_indices = @transform_2, window_bounds = array<i64: 80, 64>}, {pipeline_mode = #tpu.pipeline_mode<synchronous>, transform_indices = @transform_3, window_bounds = array<i64: 1, 64>}, {pipeline_mode = #tpu.pipeline_mode<synchronous>, transform_indices = @transform_4, window_bounds = array<i64: 1, 64>}, {pipeline_mode = #tpu.pipeline_mode<synchronous>, transform_indices = @transform_5, window_bounds = array<i64: 1, 64>}]} {
    %get3A = arith.constant 0 : index
    %get3A_0 = arith.constant 0 : index
    %get3A_1 = arith.constant 0 : index
    %get3A_2 = vector.load %arg1[%get3A, %get3A_0, %get3A_1] : memref<2x1000x80xf32, #tpu.memory_space<vmem>>, vector<1x1000x80xf32>
    %get3A_3 = vector.shape_cast %get3A_2 : vector<1x1000x80xf32> to vector<1000x80xf32>
    %get3A_4 = arith.constant 1 : index
    %get3A_5 = arith.constant 0 : index
    %get3A_6 = arith.constant 0 : index
    %get3A_7 = vector.load %arg1[%get3A_4, %get3A_5, %get3A_6] : memref<2x1000x80xf32, #tpu.memory_space<vmem>>, vector<1x1000x80xf32>
    %get3A_8 = vector.shape_cast %get3A_7 : vector<1x1000x80xf32> to vector<1000x80xf32>
    %add3A = arith.addf %get3A_3, %get3A_8 : vector<1000x80xf32>
    %get3A_9 = arith.constant 0 : index
    %get3A_10 = arith.constant 0 : index
    %get3A_11 = vector.load %arg2[%get3A_9, %get3A_10] : memref<80x64xf32, #tpu.memory_space<vmem>>, vector<80x64xf32>
    %dot_general3A = arith.constant dense<0.000000e+00> : vector<1000x64xf32>
    %dot_general3A_12 = tpu.matmul %add3A, %get3A_11, %dot_general3A {dimension_numbers = #tpu.dot_dimension_numbers<[1], [0], [0], [1], [0, 0, 1, 1], [], []>, transpose_lhs_hint = false} : vector<1000x80xf32>, vector<80x64xf32>, vector<1000x64xf32> -> vector<1000x64xf32>
    %get3A_13 = arith.constant 0 : index
    %get3A_14 = arith.constant 0 : index
    %get3A_15 = vector.load %arg3[%get3A_13, %get3A_14] : memref<80x64xf32, #tpu.memory_space<vmem>>, vector<80x64xf32>
    %dot_general3A_16 = arith.constant dense<0.000000e+00> : vector<1000x64xf32>
    %dot_general3A_17 = tpu.matmul %add3A, %get3A_15, %dot_general3A_16 {dimension_numbers = #tpu.dot_dimension_numbers<[1], [0], [0], [1], [0, 0, 1, 1], [], []>, transpose_lhs_hint = false} : vector<1000x80xf32>, vector<80x64xf32>, vector<1000x64xf32> -> vector<1000x64xf32>
    %add3A_18 = arith.constant 1.000000e-16 : f32
    %add3A_19 = vector.broadcast %add3A_18 : f32 to vector<1000x64xf32>
    %add3A_20 = arith.addf %dot_general3A_17, %add3A_19 : vector<1000x64xf32>
    %div3A = arith.divf %dot_general3A_12, %add3A_20 : vector<1000x64xf32>
    %get3A_21 = arith.constant 0 : index
    %get3A_22 = arith.constant 0 : index
    %get3A_23 = vector.load %arg4[%get3A_21, %get3A_22] : memref<1x64xf32, #tpu.memory_space<vmem>>, vector<1x64xf32>
    %add3A_24 = vector.broadcast %get3A_23 : vector<1x64xf32> to vector<1000x64xf32>
    %add3A_25 = arith.addf %div3A, %add3A_24 : vector<1000x64xf32>
    %eq3A = arith.constant 0 : i32
    %eq3A_26 = arith.cmpi eq, %arg0, %eq3A : i32
    %convert_element_type3A = arith.extui %eq3A_26 : i1 to i32
    %cond3A = arith.constant 0 : i32
    %cond3A_27 = arith.cmpi ne, %convert_element_type3A, %cond3A : i32
    scf.if %cond3A_27 {
      %broadcast_in_dim3A_45 = arith.constant 0.000000e+00 : f32
      %broadcast_in_dim3A_46 = vector.broadcast %broadcast_in_dim3A_45 : f32 to vector<1x64xf32>
      %swap3A_47 = arith.constant 0 : index
      %swap3A_48 = arith.constant 0 : index
      %swap3A_49 = vector.load %arg5[%swap3A_47, %swap3A_48] : memref<1x64xf32, #tpu.memory_space<vmem>>, vector<1x64xf32>
      tpu.vector_store %arg5[%swap3A_47, %swap3A_48], %broadcast_in_dim3A_46 {strides = array<i32>} : memref<1x64xf32, #tpu.memory_space<vmem>>, vector<1x64xf32>,
      %broadcast_in_dim3A_50 = arith.constant 0.000000e+00 : f32
      %broadcast_in_dim3A_51 = vector.broadcast %broadcast_in_dim3A_50 : f32 to vector<1x64xf32>
      %swap3A_52 = arith.constant 0 : index
      %swap3A_53 = arith.constant 0 : index
      %swap3A_54 = vector.load %arg6[%swap3A_52, %swap3A_53] : memref<1x64xf32, #tpu.memory_space<vmem>>, vector<1x64xf32>
      tpu.vector_store %arg6[%swap3A_52, %swap3A_53], %broadcast_in_dim3A_51 {strides = array<i32>} : memref<1x64xf32, #tpu.memory_space<vmem>>, vector<1x64xf32>,
    } else {
    }
    %get3A_28 = arith.constant 0 : index
    %get3A_29 = arith.constant 0 : index
    %get3A_30 = vector.load %arg5[%get3A_28, %get3A_29] : memref<1x64xf32, #tpu.memory_space<vmem>>, vector<1x64xf32>
    %reduce_sum3A = arith.constant dense<0.000000e+00> : vector<64xf32>
    %reduce_sum3A_31 = vector.multi_reduction <add>, %add3A_25, %reduce_sum3A [0] : vector<1000x64xf32> to vector<64xf32>
    %broadcast_in_dim3A = vector.shape_cast %reduce_sum3A_31 : vector<64xf32> to vector<1x64xf32>
    %add3A_32 = arith.addf %get3A_30, %broadcast_in_dim3A : vector<1x64xf32>
    %swap3A = arith.constant 0 : index
    %swap3A_33 = arith.constant 0 : index
    %swap3A_34 = vector.load %arg5[%swap3A, %swap3A_33] : memref<1x64xf32, #tpu.memory_space<vmem>>, vector<1x64xf32>
    tpu.vector_store %arg5[%swap3A, %swap3A_33], %add3A_32 {strides = array<i32>} : memref<1x64xf32, #tpu.memory_space<vmem>>, vector<1x64xf32>,
    %get3A_35 = arith.constant 0 : index
    %get3A_36 = arith.constant 0 : index
    %get3A_37 = vector.load %arg6[%get3A_35, %get3A_36] : memref<1x64xf32, #tpu.memory_space<vmem>>, vector<1x64xf32>
    %mul3A = arith.mulf %add3A_25, %add3A_25 : vector<1000x64xf32>
    %reduce_sum3A_38 = arith.constant dense<0.000000e+00> : vector<64xf32>
    %reduce_sum3A_39 = vector.multi_reduction <add>, %mul3A, %reduce_sum3A_38 [0] : vector<1000x64xf32> to vector<64xf32>
    %broadcast_in_dim3A_40 = vector.shape_cast %reduce_sum3A_39 : vector<64xf32> to vector<1x64xf32>
    %add3A_41 = arith.addf %get3A_37, %broadcast_in_dim3A_40 : vector<1x64xf32>
    %swap3A_42 = arith.constant 0 : index
    %swap3A_43 = arith.constant 0 : index
    %swap3A_44 = vector.load %arg6[%swap3A_42, %swap3A_43] : memref<1x64xf32, #tpu.memory_space<vmem>>, vector<1x64xf32>
    tpu.vector_store %arg6[%swap3A_42, %swap3A_43], %add3A_41 {strides = array<i32>} : memref<1x64xf32, #tpu.memory_space<vmem>>, vector<1x64xf32>,
    return
  }
  func.func @transform_0(%arg0: i32) -> (i32, i32, i32) {
    %c0_i32 = arith.constant 0 : i32
    %c0_i32_0 = arith.constant 0 : i32
    %c0_i32_1 = arith.constant 0 : i32
    return %c0_i32, %arg0, %c0_i32_0 : i32, i32, i32
  }
  func.func @transform_1(%arg0: i32) -> (i32, i32) {
    %c0_i32 = arith.constant 0 : i32
    %c0_i32_0 = arith.constant 0 : i32
    %c0_i32_1 = arith.constant 0 : i32
    return %c0_i32, %c0_i32_0 : i32, i32
  }
  func.func @transform_2(%arg0: i32) -> (i32, i32) {
    %c0_i32 = arith.constant 0 : i32
    %c0_i32_0 = arith.constant 0 : i32
    %c0_i32_1 = arith.constant 0 : i32
    return %c0_i32, %c0_i32_0 : i32, i32
  }
  func.func @transform_3(%arg0: i32) -> (i32, i32) {
    %c0_i32 = arith.constant 0 : i32
    %c0_i32_0 = arith.constant 0 : i32
    %c0_i32_1 = arith.constant 0 : i32
    return %c0_i32, %c0_i32_0 : i32, i32
  }
  func.func @transform_4(%arg0: i32) -> (i32, i32) {
    %c0_i32 = arith.constant 0 : i32
    %c0_i32_0 = arith.constant 0 : i32
    %c0_i32_1 = arith.constant 0 : i32
    return %c0_i32, %c0_i32_0 : i32, i32
  }
  func.func @transform_5(%arg0: i32) -> (i32, i32) {
    %c0_i32 = arith.constant 0 : i32
    %c0_i32_0 = arith.constant 0 : i32
    %c0_i32_1 = arith.constant 0 : i32
    return %c0_i32, %c0_i32_0 : i32, i32
  }
}

module attributes {stable_mosaic.version = 14 : i64} {
  func.func @_tc_out_kernel(%arg0: i32, %arg1: memref<2x1000x80xf32, #tpu.memory_space<vmem>>, %arg2: memref<80x64xf32, #tpu.memory_space<vmem>>, %arg3: memref<80x64xf32, #tpu.memory_space<vmem>>, %arg4: memref<1x64xf32, #tpu.memory_space<vmem>>, %arg5: memref<1x64xf32, #tpu.memory_space<vmem>>, %arg6: memref<1x64xf32, #tpu.memory_space<vmem>>, %arg7: memref<128x64xf32, #tpu.memory_space<vmem>>, %arg8: memref<1x64xf32, #tpu.memory_space<vmem>>, %arg9: memref<1x64xf32, #tpu.memory_space<vmem>>, %arg10: memref<1000x64xf32, #tpu.memory_space<vmem>>, %arg11: memref<1000x64xf32, #tpu.memory_space<vmem>>) attributes {dimension_semantics = [#tpu.dimension_semantics<arbitrary>], iteration_bounds = array<i64: 10>, scalar_prefetch = 0 : i64, scratch_operands = 0 : i64, tpu.core_type = #tpu.core_type<tc>, window_params = [{transform_indices = @transform_0, window_bounds = array<i64: 2, 1000, 80>}, {pipeline_mode = #tpu.pipeline_mode<synchronous>, transform_indices = @transform_1, window_bounds = array<i64: 80, 64>}, {pipeline_mode = #tpu.pipeline_mode<synchronous>, transform_indices = @transform_2, window_bounds = array<i64: 80, 64>}, {pipeline_mode = #tpu.pipeline_mode<synchronous>, transform_indices = @transform_3, window_bounds = array<i64: 1, 64>}, {pipeline_mode = #tpu.pipeline_mode<synchronous>, transform_indices = @transform_4, window_bounds = array<i64: 1, 64>}, {pipeline_mode = #tpu.pipeline_mode<synchronous>, transform_indices = @transform_5, window_bounds = array<i64: 1, 64>}, {pipeline_mode = #tpu.pipeline_mode<synchronous>, transform_indices = @transform_6, window_bounds = array<i64: 128, 64>}, {pipeline_mode = #tpu.pipeline_mode<synchronous>, transform_indices = @transform_7, window_bounds = array<i64: 1, 64>}, {pipeline_mode = #tpu.pipeline_mode<synchronous>, transform_indices = @transform_8, window_bounds = array<i64: 1, 64>}, {transform_indices = @transform_9, window_bounds = array<i64: 1000, 64>}, {transform_indices = @transform_10, window_bounds = array<i64: 1000, 64>}]} {
    %get3A = arith.constant 0 : index
    %get3A_0 = arith.constant 0 : index
    %get3A_1 = arith.constant 0 : index
    %get3A_2 = vector.load %arg1[%get3A, %get3A_0, %get3A_1] : memref<2x1000x80xf32, #tpu.memory_space<vmem>>, vector<1x1000x80xf32>
    %get3A_3 = vector.shape_cast %get3A_2 : vector<1x1000x80xf32> to vector<1000x80xf32>
    %get3A_4 = arith.constant 1 : index
    %get3A_5 = arith.constant 0 : index
    %get3A_6 = arith.constant 0 : index
    %get3A_7 = vector.load %arg1[%get3A_4, %get3A_5, %get3A_6] : memref<2x1000x80xf32, #tpu.memory_space<vmem>>, vector<1x1000x80xf32>
    %get3A_8 = vector.shape_cast %get3A_7 : vector<1x1000x80xf32> to vector<1000x80xf32>
    %add3A = arith.addf %get3A_3, %get3A_8 : vector<1000x80xf32>
    %get3A_9 = arith.constant 0 : index
    %get3A_10 = arith.constant 0 : index
    %get3A_11 = vector.load %arg2[%get3A_9, %get3A_10] : memref<80x64xf32, #tpu.memory_space<vmem>>, vector<80x64xf32>
    %dot_general3A = arith.constant dense<0.000000e+00> : vector<1000x64xf32>
    %dot_general3A_12 = tpu.matmul %add3A, %get3A_11, %dot_general3A {dimension_numbers = #tpu.dot_dimension_numbers<[1], [0], [0], [1], [0, 0, 1, 1], [], []>, transpose_lhs_hint = false} : vector<1000x80xf32>, vector<80x64xf32>, vector<1000x64xf32> -> vector<1000x64xf32>
    %get3A_13 = arith.constant 0 : index
    %get3A_14 = arith.constant 0 : index
    %get3A_15 = vector.load %arg3[%get3A_13, %get3A_14] : memref<80x64xf32, #tpu.memory_space<vmem>>, vector<80x64xf32>
    %dot_general3A_16 = arith.constant dense<0.000000e+00> : vector<1000x64xf32>
    %dot_general3A_17 = tpu.matmul %add3A, %get3A_15, %dot_general3A_16 {dimension_numbers = #tpu.dot_dimension_numbers<[1], [0], [0], [1], [0, 0, 1, 1], [], []>, transpose_lhs_hint = false} : vector<1000x80xf32>, vector<80x64xf32>, vector<1000x64xf32> -> vector<1000x64xf32>
    %add3A_18 = arith.constant 1.000000e-16 : f32
    %add3A_19 = vector.broadcast %add3A_18 : f32 to vector<1000x64xf32>
    %add3A_20 = arith.addf %dot_general3A_17, %add3A_19 : vector<1000x64xf32>
    %div3A = arith.divf %dot_general3A_12, %add3A_20 : vector<1000x64xf32>
    %get3A_21 = arith.constant 0 : index
    %get3A_22 = arith.constant 0 : index
    %get3A_23 = vector.load %arg4[%get3A_21, %get3A_22] : memref<1x64xf32, #tpu.memory_space<vmem>>, vector<1x64xf32>
    %add3A_24 = vector.broadcast %get3A_23 : vector<1x64xf32> to vector<1000x64xf32>
    %add3A_25 = arith.addf %div3A, %add3A_24 : vector<1000x64xf32>
    %get3A_26 = arith.constant 0 : index
    %get3A_27 = arith.constant 0 : index
    %get3A_28 = vector.load %arg8[%get3A_26, %get3A_27] : memref<1x64xf32, #tpu.memory_space<vmem>>, vector<1x64xf32>
    %div3A_29 = arith.constant 1.000000e+04 : f32
    %div3A_30 = vector.broadcast %div3A_29 : f32 to vector<1x64xf32>
    %div3A_31 = arith.divf %get3A_28, %div3A_30 : vector<1x64xf32>
    %get3A_32 = arith.constant 0 : index
    %get3A_33 = arith.constant 0 : index
    %get3A_34 = vector.load %arg9[%get3A_32, %get3A_33] : memref<1x64xf32, #tpu.memory_space<vmem>>, vector<1x64xf32>
    %div3A_35 = arith.constant 1.000000e+04 : f32
    %div3A_36 = vector.broadcast %div3A_35 : f32 to vector<1x64xf32>
    %div3A_37 = arith.divf %get3A_34, %div3A_36 : vector<1x64xf32>
    %mul3A = arith.mulf %div3A_31, %div3A_31 : vector<1x64xf32>
    %sub3A = arith.subf %div3A_37, %mul3A : vector<1x64xf32>
    %sub3A_38 = vector.broadcast %div3A_31 : vector<1x64xf32> to vector<1000x64xf32>
    %sub3A_39 = arith.subf %add3A_25, %sub3A_38 : vector<1000x64xf32>
    %abs3A = math.absf %sub3A : vector<1x64xf32>
    %add3A_40 = arith.constant 9.99999974E-6 : f32
    %add3A_41 = vector.broadcast %add3A_40 : f32 to vector<1x64xf32>
    %add3A_42 = arith.addf %abs3A, %add3A_41 : vector<1x64xf32>
    %rsqrt3A = math.rsqrt %add3A_42 : vector<1x64xf32>
    %mul3A_43 = vector.broadcast %rsqrt3A : vector<1x64xf32> to vector<1000x64xf32>
    %mul3A_44 = arith.mulf %sub3A_39, %mul3A_43 : vector<1000x64xf32>
    %get3A_45 = arith.constant 0 : index
    %get3A_46 = arith.constant 0 : index
    %get3A_47 = vector.load %arg5[%get3A_45, %get3A_46] : memref<1x64xf32, #tpu.memory_space<vmem>>, vector<1x64xf32>
    %mul3A_48 = vector.broadcast %get3A_47 : vector<1x64xf32> to vector<1000x64xf32>
    %mul3A_49 = arith.mulf %mul3A_44, %mul3A_48 : vector<1000x64xf32>
    %get3A_50 = arith.constant 0 : index
    %get3A_51 = arith.constant 0 : index
    %get3A_52 = vector.load %arg6[%get3A_50, %get3A_51] : memref<1x64xf32, #tpu.memory_space<vmem>>, vector<1x64xf32>
    %add3A_53 = vector.broadcast %get3A_52 : vector<1x64xf32> to vector<1000x64xf32>
    %add3A_54 = arith.addf %mul3A_49, %add3A_53 : vector<1000x64xf32>
    %gt3A = arith.constant 0.000000e+00 : f32
    %gt3A_55 = vector.broadcast %gt3A : f32 to vector<1000x64xf32>
    %gt3A_56 = arith.cmpf ogt, %add3A_54, %gt3A_55 : vector<1000x64xf32>
    %exp3A = math.exp %add3A_54 : vector<1000x64xf32>
    %sub3A_57 = arith.constant 1.000000e+00 : f32
    %sub3A_58 = vector.broadcast %sub3A_57 : f32 to vector<1000x64xf32>
    %sub3A_59 = arith.subf %exp3A, %sub3A_58 : vector<1000x64xf32>
    %select_n3A = arith.select %gt3A_56, %add3A_54, %sub3A_59 : vector<1000x64xi1>, vector<1000x64xf32>
    %get3A_60 = arith.constant 0 : index
    %get3A_61 = arith.constant 0 : index
    %get3A_62 = vector.load %arg7[%get3A_60, %get3A_61] : memref<128x64xf32, #tpu.memory_space<vmem>>, vector<64x64xf32>
    %dot_general3A_63 = arith.constant dense<0.000000e+00> : vector<1000x64xf32>
    %dot_general3A_64 = tpu.matmul %select_n3A, %get3A_62, %dot_general3A_63 {dimension_numbers = #tpu.dot_dimension_numbers<[1], [0], [0], [1], [0, 0, 1, 1], [], []>, transpose_lhs_hint = false} : vector<1000x64xf32>, vector<64x64xf32>, vector<1000x64xf32> -> vector<1000x64xf32>
    %swap3A = arith.constant 0 : index
    %swap3A_65 = arith.constant 0 : index
    %swap3A_66 = vector.load %arg10[%swap3A, %swap3A_65] : memref<1000x64xf32, #tpu.memory_space<vmem>>, vector<1000x64xf32>
    tpu.vector_store %arg10[%swap3A, %swap3A_65], %dot_general3A_64 {strides = array<i32>} : memref<1000x64xf32, #tpu.memory_space<vmem>>, vector<1000x64xf32>,
    %get3A_67 = arith.constant 64 : index
    %get3A_68 = arith.constant 0 : index
    %get3A_69 = vector.load %arg7[%get3A_67, %get3A_68] : memref<128x64xf32, #tpu.memory_space<vmem>>, vector<64x64xf32>
    %dot_general3A_70 = arith.constant dense<0.000000e+00> : vector<1000x64xf32>
    %dot_general3A_71 = tpu.matmul %select_n3A, %get3A_69, %dot_general3A_70 {dimension_numbers = #tpu.dot_dimension_numbers<[1], [0], [0], [1], [0, 0, 1, 1], [], []>, transpose_lhs_hint = false} : vector<1000x64xf32>, vector<64x64xf32>, vector<1000x64xf32> -> vector<1000x64xf32>
    %swap3A_72 = arith.constant 0 : index
    %swap3A_73 = arith.constant 0 : index
    %swap3A_74 = vector.load %arg11[%swap3A_72, %swap3A_73] : memref<1000x64xf32, #tpu.memory_space<vmem>>, vector<1000x64xf32>
    tpu.vector_store %arg11[%swap3A_72, %swap3A_73], %dot_general3A_71 {strides = array<i32>} : memref<1000x64xf32, #tpu.memory_space<vmem>>, vector<1000x64xf32>,
    return
  }
  func.func @transform_0(%arg0: i32) -> (i32, i32, i32) {
    %c0_i32 = arith.constant 0 : i32
    %c0_i32_0 = arith.constant 0 : i32
    %c0_i32_1 = arith.constant 0 : i32
    return %c0_i32, %arg0, %c0_i32_0 : i32, i32, i32
  }
  func.func @transform_1(%arg0: i32) -> (i32, i32) {
    %c0_i32 = arith.constant 0 : i32
    %c0_i32_0 = arith.constant 0 : i32
    %c0_i32_1 = arith.constant 0 : i32
    return %c0_i32, %c0_i32_0 : i32, i32
  }
  func.func @transform_2(%arg0: i32) -> (i32, i32) {
    %c0_i32 = arith.constant 0 : i32
    %c0_i32_0 = arith.constant 0 : i32
    %c0_i32_1 = arith.constant 0 : i32
    return %c0_i32, %c0_i32_0 : i32, i32
  }
  func.func @transform_3(%arg0: i32) -> (i32, i32) {
    %c0_i32 = arith.constant 0 : i32
    %c0_i32_0 = arith.constant 0 : i32
    %c0_i32_1 = arith.constant 0 : i32
    return %c0_i32, %c0_i32_0 : i32, i32
  }
  func.func @transform_4(%arg0: i32) -> (i32, i32) {
    %c0_i32 = arith.constant 0 : i32
    %c0_i32_0 = arith.constant 0 : i32
    %c0_i32_1 = arith.constant 0 : i32
    return %c0_i32, %c0_i32_0 : i32, i32
  }
  func.func @transform_5(%arg0: i32) -> (i32, i32) {
    %c0_i32 = arith.constant 0 : i32
    %c0_i32_0 = arith.constant 0 : i32
    %c0_i32_1 = arith.constant 0 : i32
    return %c0_i32, %c0_i32_0 : i32, i32
  }
  func.func @transform_6(%arg0: i32) -> (i32, i32) {
    %c0_i32 = arith.constant 0 : i32
    %c0_i32_0 = arith.constant 0 : i32
    %c0_i32_1 = arith.constant 0 : i32
    return %c0_i32, %c0_i32_0 : i32, i32
  }
  func.func @transform_7(%arg0: i32) -> (i32, i32) {
    %c0_i32 = arith.constant 0 : i32
    %c0_i32_0 = arith.constant 0 : i32
    %c0_i32_1 = arith.constant 0 : i32
    return %c0_i32, %c0_i32_0 : i32, i32
  }
  func.func @transform_8(%arg0: i32) -> (i32, i32) {
    %c0_i32 = arith.constant 0 : i32
    %c0_i32_0 = arith.constant 0 : i32
    %c0_i32_1 = arith.constant 0 : i32
    return %c0_i32, %c0_i32_0 : i32, i32
  }
  func.func @transform_9(%arg0: i32) -> (i32, i32) {
    %c0_i32 = arith.constant 0 : i32
    %c0_i32_0 = arith.constant 0 : i32
    return %arg0, %c0_i32 : i32, i32
  }
  func.func @transform_10(%arg0: i32) -> (i32, i32) {
    %c0_i32 = arith.constant 0 : i32
    %c0_i32_0 = arith.constant 0 : i32
    return %arg0, %c0_i32 : i32, i32
  }
}

module attributes {stable_mosaic.version = 14 : i64} {
  func.func @_tc_fin_kernel(%arg0: i32, %arg1: memref<2048x64xf32, #tpu.memory_space<vmem>>, %arg2: memref<1x64xf32, #tpu.memory_space<vmem>>, %arg3: memref<64x1xf32, #tpu.memory_space<vmem>>, %arg4: memref<1x1xf32, #tpu.memory_space<vmem>>, %arg5: memref<2048x1xf32, #tpu.memory_space<vmem>>) attributes {dimension_semantics = [#tpu.dimension_semantics<arbitrary>], iteration_bounds = array<i64: 32>, scalar_prefetch = 0 : i64, scratch_operands = 0 : i64, tpu.core_type = #tpu.core_type<tc>, window_params = [{transform_indices = @transform_0, window_bounds = array<i64: 2048, 64>}, {pipeline_mode = #tpu.pipeline_mode<synchronous>, transform_indices = @transform_1, window_bounds = array<i64: 1, 64>}, {pipeline_mode = #tpu.pipeline_mode<synchronous>, transform_indices = @transform_2, window_bounds = array<i64: 64, 1>}, {pipeline_mode = #tpu.pipeline_mode<synchronous>, transform_indices = @transform_3, window_bounds = array<i64: 1, 1>}, {transform_indices = @transform_4, window_bounds = array<i64: 2048, 1>}]} {
    %get3A = arith.constant 0 : index
    %get3A_0 = arith.constant 0 : index
    %get3A_1 = vector.load %arg1[%get3A, %get3A_0] : memref<2048x64xf32, #tpu.memory_space<vmem>>, vector<2048x64xf32>
    %get3A_2 = arith.constant 0 : index
    %get3A_3 = arith.constant 0 : index
    %get3A_4 = vector.load %arg2[%get3A_2, %get3A_3] : memref<1x64xf32, #tpu.memory_space<vmem>>, vector<1x64xf32>
    %add3A = vector.broadcast %get3A_4 : vector<1x64xf32> to vector<2048x64xf32>
    %add3A_5 = arith.addf %get3A_1, %add3A : vector<2048x64xf32>
    %gt3A = arith.constant 0.000000e+00 : f32
    %gt3A_6 = vector.broadcast %gt3A : f32 to vector<2048x64xf32>
    %gt3A_7 = arith.cmpf ogt, %add3A_5, %gt3A_6 : vector<2048x64xf32>
    %exp3A = math.exp %add3A_5 : vector<2048x64xf32>
    %sub3A = arith.constant 1.000000e+00 : f32
    %sub3A_8 = vector.broadcast %sub3A : f32 to vector<2048x64xf32>
    %sub3A_9 = arith.subf %exp3A, %sub3A_8 : vector<2048x64xf32>
    %select_n3A = arith.select %gt3A_7, %add3A_5, %sub3A_9 : vector<2048x64xi1>, vector<2048x64xf32>
    %get3A_10 = arith.constant 0 : index
    %get3A_11 = arith.constant 0 : index
    %get3A_12 = vector.load %arg3[%get3A_10, %get3A_11] : memref<64x1xf32, #tpu.memory_space<vmem>>, vector<64x1xf32>
    %dot_general3A = arith.constant dense<0.000000e+00> : vector<2048x1xf32>
    %dot_general3A_13 = tpu.matmul %select_n3A, %get3A_12, %dot_general3A {dimension_numbers = #tpu.dot_dimension_numbers<[1], [0], [0], [1], [0, 0, 1, 1], [], []>, transpose_lhs_hint = false} : vector<2048x64xf32>, vector<64x1xf32>, vector<2048x1xf32> -> vector<2048x1xf32>
    %get3A_14 = arith.constant 0 : index
    %get3A_15 = arith.constant 0 : index
    %get3A_16 = vector.load %arg4[%get3A_14, %get3A_15] : memref<1x1xf32, #tpu.memory_space<vmem>>, vector<1x1xf32>
    %add3A_17 = vector.broadcast %get3A_16 : vector<1x1xf32> to vector<2048x1xf32>
    %add3A_18 = arith.addf %dot_general3A_13, %add3A_17 : vector<2048x1xf32>
    %neg3A = arith.constant 0.000000e+00 : f32
    %neg3A_19 = vector.broadcast %neg3A : f32 to vector<2048x1xf32>
    %neg3A_20 = arith.subf %neg3A_19, %add3A_18 : vector<2048x1xf32>
    %exp3A_21 = math.exp %neg3A_20 : vector<2048x1xf32>
    %add3A_22 = arith.constant 1.000000e+00 : f32
    %add3A_23 = vector.broadcast %add3A_22 : f32 to vector<2048x1xf32>
    %add3A_24 = arith.addf %add3A_23, %exp3A_21 : vector<2048x1xf32>
    %div3A = arith.constant 1.000000e+00 : f32
    %div3A_25 = vector.broadcast %div3A : f32 to vector<2048x1xf32>
    %div3A_26 = arith.divf %div3A_25, %add3A_24 : vector<2048x1xf32>
    %swap3A = arith.constant 0 : index
    %swap3A_27 = arith.constant 0 : index
    %swap3A_28 = vector.load %arg5[%swap3A, %swap3A_27] : memref<2048x1xf32, #tpu.memory_space<vmem>>, vector<2048x1xf32>
    tpu.vector_store %arg5[%swap3A, %swap3A_27], %div3A_26 {strides = array<i32>} : memref<2048x1xf32, #tpu.memory_space<vmem>>, vector<2048x1xf32>,
    return
  }
  func.func @transform_0(%arg0: i32) -> (i32, i32) {
    %c0_i32 = arith.constant 0 : i32
    %c0_i32_0 = arith.constant 0 : i32
    return %arg0, %c0_i32 : i32, i32
  }
  func.func @transform_1(%arg0: i32) -> (i32, i32) {
    %c0_i32 = arith.constant 0 : i32
    %c0_i32_0 = arith.constant 0 : i32
    %c0_i32_1 = arith.constant 0 : i32
    return %c0_i32, %c0_i32_0 : i32, i32
  }
  func.func @transform_2(%arg0: i32) -> (i32, i32) {
    %c0_i32 = arith.constant 0 : i32
    %c0_i32_0 = arith.constant 0 : i32
    %c0_i32_1 = arith.constant 0 : i32
    return %c0_i32, %c0_i32_0 : i32, i32
  }
  func.func @transform_3(%arg0: i32) -> (i32, i32) {
    %c0_i32 = arith.constant 0 : i32
    %c0_i32_0 = arith.constant 0 : i32
    %c0_i32_1 = arith.constant 0 : i32
    return %c0_i32, %c0_i32_0 : i32, i32
  }
  func.func @transform_4(%arg0: i32) -> (i32, i32) {
    %c0_i32 = arith.constant 0 : i32
    %c0_i32_0 = arith.constant 0 : i32
    return %arg0, %c0_i32 : i32, i32
  }
}

</mosaic_0001>

<sc_bundles>
// kernel: kernel.11.cloned.1.call-start
scs
__scs_entry_jumppad:
0x0: {  	(pc) =	sbr.rel $0x88, $3  }
0x1: {  	(tag) =	ssettag $0x0;
	lr =	simm.s32 $0x1  }
0x2: {  	[smem:$0x3F8D] =	sst lr;
	_ =	strace $0xD0000000  }
0x3: {  	_ = 	snop  }
0x4: {  	_ = 	snop  }
0x5: {  	_ = 	snop  }
0x6: {  	_ = 	snop  }
0x7: {  	_ = 	snop  }
__scs_overlays_trampoline_lowered:
0x8: {  	[smem:$0x3F9C] =	sst s0  }
0x9: {  	[smem:$0x3F9D] =	sst s1  }
0xa: {  	[smem:$0x3F9E] =	sst s2  }
0xb: {  	[smem:$0x3F9F] =	sst s3  }
0xc: {  	[smem:$0x3FA0] =	sst s4  }
0xd: {  	[smem:$0x3FA1] =	sst s5  }
0xe: {  	[smem:$0x3FA2] =	sst s6  }
0xf: {  	[smem:$0x3FA3] =	sst s7  }
0x10: {  	[smem:$0x3FA4] =	sst s8  }
0x11: {  	[smem:$0x3FA5] =	sst s9;
	s0 =	simm.s32 @!p0 $0x0  }
0x12: {  	s1 =	sld [smem:$0x3F8B];
	s0 =	simm.s32 @p0 $0x1  }
0x13: {  	[smem:$0x3FA6] =	sst s0;
	s0 =	simm.s32 @!p1 $0x0  }
0x14: {  	s2 =	sld [smem:$0x3F8A];
	s0 =	simm.s32 @p1 $0x1  }
0x15: {  	[smem:$0x3FA7] =	sst s0;
	s0 =	simm.s32 @!p2 $0x0  }
0x16: {  	s3 =	sld [smem:$0x3FDB];
	s0 =	simm.s32 @p2 $0x1  }
0x17: {  	s4 =	simm.s32 $0x1BF5;
	[smem:$0x3FA9] =	sst s0  }
0x18: {  	s0 =	sld [smem:$0x3F8C];
	_ =	swait.ge [sflag:s4], $0x0  }
0x19: {  	s7 =	sld [smem:$0x3F8D]  }
0x1a: {  	s8 =	sadd.s32 $0xFFFFE003, lr  }
0x1b: {  	s9 =	sadd.s32 $0xFFFFFEF7, lr;
	s5 =	simm.s32 $0xFFFFFFFF;
	p2 =	slt.u32 s8, $0xFFFFF086  }
0x1c: {  	p1 =	slt.u32 s9, $0xF7A;
	s5 =	simm.s32 @!p2 $0x0  }
0x1d: {  	s5 =	simm.s32 @p1 $0x1;
	p0 =	seq.s32 s7, s2  }
0x1e: {  	s7 =	smul.u32 @!p0 $0xF7A, s2;
	p2 =	seq.s32 @!p0 s5, $0x0  }
0x1f: {  	s9 =	smul.u32 $0xF7A, s1;
	s8 =	simm.s32 @!p0 $0x1BF5;
	p2 =	por !p2, p0  }
0x20: {  	[sflag:s8] =	ssyncset.s32 @!p0 $0xFFFFF086;
	s6 =	sadd.s32 @!p0 s3, s7;
	s7 =	simm.s32 @!p0 $0x108  }
0x21: {  	s3 =	sadd.s32 s3, s9;
	s6 =	sadd.s32 @!p0 $0x88, s6;
	s7 =	simm.s32 @p2 $0x1082  }
0x22: {  	[simem:s7], [sflag:s8] =	dma.local @!p0 [hbm:s6], $0xF7A  }
0x23: {  	s9 =	sor.u32 $0xD0000000, s2;
	s6 =	simm.s32 $0x108;
	_ =	swait.ge @!p0 [sflag:s8], $0x0  }
0x24: {  	s3 =	sadd.s32 $0x88, s3;
	s6 =	simm.s32 @!p1 $0x1082;
	[sflag:s4] =	ssyncset.s32 $0xFFFFF086  }
0x25: {  	[simem:s6], [sflag:s4] =	dma.local [hbm:s3], $0xF7A  }
0x26: {  	[smem:$0x3F8D] =	sst s1;
	(tag) =	ssettag s2;
	_ =	strace s9  }
0x27: {  	s1 =	sld [smem:$0x3F9D]  }
0x28: {  	s2 =	sld [smem:$0x3F9E]  }
0x29: {  	s4 =	sld [smem:$0x3FA0]  }
0x2a: {  	p0 =	seq.s32 s5, $0x0;
	s5 =	sld [smem:$0x3FA1]  }
0x2b: {  	s6 =	sld [smem:$0x3FA2]  }
0x2c: {  	s7 =	sld [smem:$0x3FA3]  }
0x2d: {  	s3 =	simm.s32 $0x108;
	s8 =	sld [smem:$0x3FA4]  }
0x2e: {  	s3 =	simm.s32 @!p0 $0x1082;
	s9 =	sld [smem:$0x3FA5]  }
0x2f: {  	lr =	sadd.s32 s0, s3;
	s0 =	sld [smem:$0x3F9C]  }
0x30: {  	s3 =	sld [smem:$0x3F9F]  }
0x31: {  	[smem:$0x3FA8] =	sst s10  }
0x32: {  	s10 =	sld [smem:$0x3FA6];
	_ =	sdelay $0x3  }
0x33: {  	p0 =	seq.s32 s10, $0x1;
	s10 =	sld [smem:$0x3FA8];
	_ =	sdelay $0x3  }
0x34: {  	[smem:$0x3FA8] =	sst s10  }
0x35: {  	s10 =	sld [smem:$0x3FA7];
	_ =	sdelay $0x3  }
0x36: {  	p1 =	seq.s32 s10, $0x1;
	s10 =	sld [smem:$0x3FA8];
	_ =	sdelay $0x3  }
0x37: {  	[smem:$0x3FA8] =	sst s10  }
0x38: {  	s10 =	sld [smem:$0x3FA9]  }
0x39: {  	_ = 	snop;
	(pc) =	sbr.ind lr, $3  }
0x3a: {  	_ = 	snop  }
0x3b: {  	_ = 	snop  }
0x3c: {  	p2 =	seq.s32 s10, $0x1;
	s10 =	sld [smem:$0x3FA8]  }
0x3d: {  	_ =	shalt  }
0x3e: {  	_ =	shalt  }
0x3f: {  	_ =	shalt  }
0x40: {  	_ =	shalt  }
0x41: {  	_ =	shalt  }
0x42: {  	_ =	shalt  }
0x43: {  	_ =	shalt  }
0x44: {  	_ =	shalt  }
0x45: {  	_ =	shalt  }
0x46: {  	_ =	shalt  }
0x47: {  	_ =	shalt  }
0x48: {  	_ =	shalt  }
0x49: {  	_ =	shalt  }
0x4a: {  	_ =	shalt  }
0x4b: {  	_ =	shalt  }
0x4c: {  	_ =	shalt  }
0x4d: {  	_ =	shalt  }
0x4e: {  	_ =	shalt  }
0x4f: {  	_ =	shalt  }
0x50: {  	_ =	shalt  }
0x51: {  	_ =	shalt  }
0x52: {  	_ =	shalt  }
0x53: {  	_ =	shalt  }
0x54: {  	_ =	shalt  }
0x55: {  	_ =	shalt  }
0x56: {  	_ =	shalt  }
0x57: {  	_ =	shalt  }
0x58: {  	_ =	shalt  }
0x59: {  	_ =	shalt  }
0x5a: {  	_ =	shalt  }
0x5b: {  	_ =	shalt  }
0x5c: {  	_ =	shalt  }
0x5d: {  	_ =	shalt  }
0x5e: {  	_ =	shalt  }
0x5f: {  	_ =	shalt  }
0x60: {  	_ =	shalt  }
0x61: {  	_ =	shalt  }
0x62: {  	_ =	shalt  }
0x63: {  	_ =	shalt  }
0x64: {  	_ =	shalt  }
0x65: {  	_ =	shalt  }
0x66: {  	_ =	shalt  }
0x67: {  	_ =	shalt  }
0x68: {  	_ =	shalt  }
0x69: {  	_ =	shalt  }
0x6a: {  	_ =	shalt  }
0x6b: {  	_ =	shalt  }
0x6c: {  	_ =	shalt  }
0x6d: {  	_ =	shalt  }
0x6e: {  	_ =	shalt  }
0x6f: {  	_ =	shalt  }
0x70: {  	_ =	shalt  }
0x71: {  	_ =	shalt  }
0x72: {  	_ =	shalt  }
0x73: {  	_ =	shalt  }
0x74: {  	_ =	shalt  }
0x75: {  	_ =	shalt  }
0x76: {  	_ =	shalt  }
0x77: {  	_ =	shalt  }
0x78: {  	_ =	shalt  }
0x79: {  	_ =	shalt  }
0x7a: {  	_ =	shalt  }
0x7b: {  	_ =	shalt  }
0x7c: {  	_ =	shalt  }
0x7d: {  	_ =	shalt  }
0x7e: {  	_ =	shalt  }
0x7f: {  	_ =	shalt  }
0x80: {  	_ =	shalt  }
0x81: {  	_ =	shalt  }
0x82: {  	_ =	shalt  }
0x83: {  	_ =	shalt  }
0x84: {  	_ =	shalt  }
0x85: {  	_ =	shalt  }
0x86: {  	_ =	shalt  }
0x87: {  	_ =	shalt  }
.Lfunc_end0:
.L_simem_size_0:
called_computation_lowered:
.L_overlay_start_0:
0x88: {  	s2 =	sld [smem:$0x3FD9]  }
0x89: {  	s3 =	sld [smem:$0x3FFE];
	_ =	sdelay $0x1  }
0x8a: {  	s1 =	srdreg.scid  }
0x8b: {  	s0 =	sand.u32 $0x1, s1  }
0x8c: {  	s16 =	sshll.u32 s0, $0xA;
	s2 =	sadd.s32 s3, s2  }
0x8d: {  	s2 =	sadd.s32 s2, s16  }
0x8e: {  	[smem:$0x3FB4] =	sst s2  }
0x8f: {  	_ = 	snop  }
0x90: {  	(tm) =	ssettm $0x1  }
0x91: {  	s17 =	sld [smem:$0x3FFB];
	_ =	sdelay $0x3  }
0x92: {  	_ =	strace s17  }
0x93: {  	s2 =	sld [smem:$0x3FFC];
	_ =	sdelay $0x3  }
0x94: {  	_ =	strace s2  }
0x95: {  	s2 =	sld [smem:$0x3FFD];
	_ =	sdelay $0x3  }
0x96: {  	_ =	strace s2  }
0x97: {  	_ =	strace $0x8FFFFFFF  }
0x98: {  	s18 =	sld [smem:$0x3FDB];
	_ =	sdelay $0x1  }
0x99: {  	s19 =	simm.s32 $_scs_section_size  }
0x9a: {  	s4 =	simm.s32 $_size__tile_overlayer_lowered;
	s5 =	simm.s32 $_tile_overlayer_lowered  }
0x9b: {  	s22 =	simm.s32 $0x1BFF;
	s21 =	sshll.u32 s5, $0x1;
	s2 =	sadd.s32 s19, s18  }
0x9c: {  	s6 =	simm.s32 $0x0;
	s20 =	sshll.u32 s4, $0x1;
	s4 =	sadd.s32 s21, s2  }
0x9d: {  	[timem:s6], [sflag:s22] =	dma.local [hbm:s4], s20  }
0x9e: {  	_ =	swait.ge [sflag:s22], s20  }
0x9f: {  	s3 =	ssub.s32 $0x0, s20;
	[sflag:s22] =	ssyncset.done $0x0  }
0xa0: {  	[sflag:s22] =	ssyncadd.s32 s3;
	_ =	sdelay $0x1  }
0xa1: {  	s23 =	simm.s32 $0x1B8B  }
0xa2: {  	_ =	swait.ge [sflag:s23], $0x1  }
0xa3: {  	[sflag:s23] =	ssyncset.done $0x0  }
0xa4: {  	s25 =	simm.s32 $0x1B8E;
	s24 =	sld [smem:$0x3FFE];
	[sflag:s23] =	ssyncadd.s32 $0xFFFFFFFF  }
0xa5: {  	s26 =	simm.s32 $execute0_lowered;
	[smem:$0x3FD2] =	sst s25  }
0xa6: {  	s4 =	sshll.u32 s26, $0x1;
	_ =	strace $0x80000046;
	[dreg:$0x1] =	wrdreg $0xFFFFFFFF  }
0xa7: {  	s28 =	simm.s32 $_size_execute0_lowered;
	s2 =	sadd.s32 s2, s4;
	[dreg:$0x0] =	wrdreg $0x0  }
0xa8: {  	s4 =	sshll.u32 s28, $0x1;
	[dreg:$0x2] =	wrdreg s2  }
0xa9: {  	[dreg:$0x3] =	wrdreg s4  }
0xaa: {  	[dreg:$0x4] =	wrdreg $0xC0  }
0xab: {  	_ =	task [dreg:s6], $0x5FFFF  }
0xac: {  	[dreg:$0x1] =	wrdreg $0xFFFFFFFF  }
0xad: {  	[dreg:$0x0] =	wrdreg $0x60  }
0xae: {  	[dreg:$0x2] =	wrdreg s24  }
0xaf: {  	[dreg:$0x3] =	wrdreg $0x0  }
0xb0: {  	[dreg:$0x4] =	wrdreg $0x9  }
0xb1: {  	_ =	task.clear_ibuf [dreg:s6], $0x5FFFF;
	_ =	strace $0x90000046  }
0xb2: {  	s29 =	simm.s32 $0x9;
	_ =	strace $0x80000048  }
0xb3: {  	_ =	swait.ge [sflag:s29], $0x1  }
0xb4: {  	[sflag:s29] =	ssyncadd.s32 $0xFFFFFFFF  }
0xb5: {  	_ =	strace $0x90000048  }
0xb6: {  	_ =	sfence  }
0xb7: {  	s30 =	sld [smem:$0x0];
	_ =	sdelay $0x2  }
0xb8: {  	s31 =	sshll.u32 s1, $0xD;
	s1 =	sshrl.u32 s1, $0x2  }
0xb9: {  	s3 =	sand.u32 $0x4000, s31;
	s1 =	sadd.s32 s1, s30  }
0xba: {  	s0 =	sor.u32 s3, s0;
	s1 =	sshll.u32 s1, $0x11  }
0xbb: {  	s0 =	sor.u32 s1, s0  }
0xbc: {  	s0 =	sadd.s32 $0x8F2B, s0  }
0xbd: {  	[sflag:s0] =	ssyncadd.remote.s32 $0x1  }
0xbe: {  	_ =	sfence.sel $0xFFFF  }
0xbf: {  	[dreg:$0x0] =	wrdreg $0xFFFFFFFF;
	(pc) =	sbr.abs _section_cstart, $3  }
0xc0: {  	[dreg:$0x1] =	wrdreg $0xFFFFFFFF  }
0xc1: {  	_ =	task.clear_ibuf [dreg:s6], $0x2FFFF;
	_ =	strace $0x9FFFFFFF  }
0xc2: {  	(tm) =	ssettm $0x7FFFFFFF  }
0xc3: {  	_ =	shalt  }
tec
execute0_lowered:
.L_overlay_start_1:
0x0: {  	(tag) =	ssettag $0x1  }
0x1: {  	s10 =	rddreg [dreg:$0x0]  }
0x2: {  	s1 =	rddreg [dreg:$0x1]  }
0x3: {  	s0 =	rddreg [dreg:$0x2];
	s2 =	simm.s32 $0x0;
	s15 =	stileid.u32  }
0x4: {  	s7 =	srdreg.scid;
	s20 =	simm.s32 $0x50;
	s21 =	simm.s32 $0x16030  }
0x5: {  	s22 =	simm.s32 $0x1;
	s23 =	simm.s32 $0x16530;
	s24 =	simm.s32 $0x16A30  }
0x6: {  	[smem:$0x7FF] =	sst s2;
	s3 =	sadd.s32 $0x16800, s10;
	s4 =	sadd.s32 $0x3DA00, s10  }
0x7: {  	s11 =	smul.u32 $0x15F00, s15;
	s5 =	sadd.s32 $0x42A00, s10;
	s6 =	sadd.s32 $0xCA00, s10  }
0x8: {  	s8 =	sand.u32 $0x1, s7;
	s7 =	sadd.s32 $0x2C00, s10;
	s16 =	sadd.s32 $0x73A00, s10  }
0x9: {  	s26 =	sshll.u32 s15, $0x6;
	s19 =	sadd.s32 $0x15F000, s1;
	p0 =	sne.s32 s15, $0x0  }
0xa: {  	_ =	strace $0x80000047;
	s12 =	ssub.s32 $0x2, s8;
	s14 =	sshll.u32 s8, $0x4  }
0xb: {  	s28 =	smul.u32 $0x15F900, s8;
	s9 =	sshrl.u32 s11, $0x3;
	s13 =	sshrl.u32 s12, $0x1  }
0xc: {  	s25 =	sor.u32 s15, s14;
	s18 =	sadd.s32 s11, s1;
	s9 =	sadd.s32 s9, s10  }
0xd: {  	s17 =	ssub.s32 s12, s13;
	s10 =	sadd.s32 $0x73800, s10;
	s29 =	sadd.s32 s11, s28  }
0xe: {  	s14 =	sshrl.u32 s28, $0x3;
	s11 =	smul.u32 $0x2710, s25;
	s15 =	sshrl.u32 s18, $0x3  }
0xf: {  	s18 =	simm.s32 $0x15F90;
	s25 =	simm.s32 $0x19230;
	s8 =	sadd.s32 $0x47A00, s9  }
0x10: {  	s9 =	sor.u32 $0x1C02, s26;
	s30 =	sshrl.u32 s29, $0x3;
	s31 =	sadd.s32 s16, s14  }
0x11: {  	s14 =	smax.u32 s17, $0x1;
	s17 =	sshrl.u32 @!p0 s19, $0x3;
	s19 =	simm.s32 $0x15FE0  }
0x12: {  	vm0 =	vmmov $0xf;
	s12 =	sadd.s32 s16, s30;
	s13 =	sadd.s32 $0x2BE00, s31;
	s16 =	simm.s32 $0x2  }
.LBB2_1:
0x13: {  	[spmem:s15], [sflag:s9] =	dma.local [hbm:s8], $0x2BE0  }
0x14: {  	_ =	swait.ge [sflag:s16], $0x2BE0  }
0x15: {  	[sflag:s16] =	ssyncset.done $0x0  }
0x16: {  	s26 =	simm.s32 @!p0 $0x2;
	[sflag:s16] =	ssyncadd.s32 $0xFFFFD420  }
0x17: {  	[spmem:s17], [sflag:s9] =	dma.local @!p0 [hbm:s10], $0x120  }
0x18: {  	_ =	swait.ge @!p0 [sflag:s26], $0x120  }
0x19: {  	[sflag:s26] =	ssyncset.done @!p0 $0x0  }
0x1a: {  	[sflag:s26] =	ssyncadd.s32 @!p0 $0xFFFFFEE0  }
0x1b: {  	s26 =	simm.s32 $0x0;
	[bflag:$0x0] =	sbarrier.arrive $0xFFFF  }
.LBB2_2:
0x1c: {  	s28 =	smul.u32 $0x50, s26;
	_ =	sdelay $0x1  }
0x1d: {  	s28 =	sadd.s32 s11, s28  }
0x1e: {  	s28 =	sshrl.u32 s28, $0x3  }
0x1f: {  	s30 =	simm.s32 $0x0;
	s29 =	sadd.s32 s6, s28  }
0x20: {  	[tilespmem:s18], [sflag:$0x2] =	stream.linear.gather [hbm4b:s29+s30], $0x50, $0x38;
	[tilespmem:$0x1BF30] =	vst v63  }
0x21: {  	_ =	swait.ge [sflag:s16], $0x50  }
0x22: {  	[sflag:s16] =	ssyncset.done $0x0  }
0x23: {  	s28 =	sadd.s32 s7, s28;
	[sflag:s16] =	ssyncadd.s32 $0xFFFFFFB0  }
0x24: {  	[tilespmem:s19], [sflag:$0x2] =	stream.linear.gather [hbm4b:s28+s30], $0x50, $0x38;
	[tilespmem:$0x1BF30] =	vst v63  }
0x25: {  	_ =	swait.ge [sflag:s16], $0x50  }
0x26: {  	[sflag:s16] =	ssyncset.done $0x0  }
0x27: {  	[sflag:s16] =	ssyncadd.s32 $0xFFFFFFB0  }
0x28: {  	[tilespmem:s21], [sflag:$0x1] =	stream.indirect.gather [hbm4b:s4+s20], $0x10, s18, s20, $0xb8;
	[tilespmem:$0x1BF30] =	vst v63  }
0x29: {  	_ =	swait.ge [sflag:s22], $0x500  }
0x2a: {  	[sflag:s22] =	ssyncset.done $0x0  }
0x2b: {  	[sflag:s22] =	ssyncadd.s32 $0xFFFFFB00  }
0x2c: {  	[tilespmem:s23], [sflag:$0x1] =	stream.indirect.gather [hbm4b:s5+s20], $0x10, s19, s20, $0xb8;
	[tilespmem:$0x1BF30] =	vst v63  }
0x2d: {  	_ =	swait.ge [sflag:s22], $0x500  }
0x2e: {  	[sflag:s22] =	ssyncset.done $0x0  }
0x2f: {  	[sflag:s22] =	ssyncadd.s32 $0xFFFFFB00  }
0x30: {  	[tilespmem:s24], [sflag:$0x1] =	stream.indirect.gather [hbm4b:s3+s20], $0x80, s18, s20, $0xb8;
	[tilespmem:$0x1BF30] =	vst v63  }
0x31: {  	_ =	swait.ge [sflag:s22], $0x2800  }
0x32: {  	[sflag:s22] =	ssyncset.done $0x0  }
0x33: {  	s28 =	simm.s32 $0x0;
	[sflag:s22] =	ssyncadd.s32 $0xFFFFD800  }
0x34: {  	v0 =	vld [tilespmem:s28+$0x16030]  }
0x35: {  	v1 =	vld [tilespmem:s28+$0x16530];
	_ =	sdelay $0x4  }
0x36: {  	v0 =	vadd.f32 v1, v0;
	_ =	sdelay $0x1  }
0x37: {  	v1 =	vmul.f32 $2.000000030e-01, v0  }
0x38: {  	vm1 =	vge.f32 v0, $0.0e+00  }
0x39: {  	v0 =	vsel vm1, v0, v1  }
0x3a: {  	v0 =	vmul.f32 $1.442695020e+00, v0;
	_ =	sdelay $0x1  }
0x3b: {  	(erf) = vpow2.f32 v0;
	_ =	sdelay $0x8  }
0x3c: {  	v0 =	vpop (erf)  }
0x3d: {  	s28 =	simm.s32 $0x19270;
	v1 =	vnsel vm0, $0x0, v0  }
0x3e: {  	s29 =	simm.s32 $0x16A70;
	[tilespmem:s28+$0x40] =	vst v1  }
0x3f: {  	v1 =	vld [tilespmem:s29+$0xFFFFFFC0];
	_ =	sdelay $0x2  }
0x40: {  	v2 =	vbroadcast v0, $0x0;
	_ =	sdelay $0x1  }
0x41: {  	v1 =	vmul.f32 v2, v1;
	_ =	sdelay $0x1  }
0x42: {  	[tilespmem:s28+$0xFFFFFFC0] =	vst v1  }
0x43: {  	v1 =	vld [tilespmem:s29+$0xFFFFFFD0];
	_ =	sdelay $0x4  }
0x44: {  	v1 =	vmul.f32 v2, v1;
	_ =	sdelay $0x1  }
0x45: {  	[tilespmem:s28+$0xFFFFFFD0] =	vst v1  }
0x46: {  	v1 =	vld [tilespmem:s29+$0xFFFFFFE0];
	_ =	sdelay $0x2  }
0x47: {  	v2 =	vbroadcast v0, $0x1;
	_ =	sdelay $0x1  }
0x48: {  	v1 =	vmul.f32 v2, v1;
	_ =	sdelay $0x1  }
0x49: {  	[tilespmem:s28+$0xFFFFFFE0] =	vst v1  }
0x4a: {  	v1 =	vld [tilespmem:s29+$0xFFFFFFF0];
	_ =	sdelay $0x4  }
0x4b: {  	v1 =	vmul.f32 v1, v2;
	_ =	sdelay $0x1  }
0x4c: {  	[tilespmem:s28+$0xFFFFFFF0] =	vst v1  }
0x4d: {  	v1 =	vld [tilespmem:s29+$0x0];
	_ =	sdelay $0x2  }
0x4e: {  	v2 =	vbroadcast v0, $0x2;
	_ =	sdelay $0x1  }
0x4f: {  	v1 =	vmul.f32 v1, v2;
	_ =	sdelay $0x1  }
0x50: {  	[tilespmem:s28+$0x0] =	vst v1  }
0x51: {  	v1 =	vld [tilespmem:s29+$0x10];
	_ =	sdelay $0x4  }
0x52: {  	v1 =	vmul.f32 v1, v2;
	_ =	sdelay $0x1  }
0x53: {  	[tilespmem:s28+$0x10] =	vst v1  }
0x54: {  	v1 =	vld [tilespmem:s29+$0x20];
	_ =	sdelay $0x2  }
0x55: {  	v0 =	vbroadcast v0, $0x3;
	_ =	sdelay $0x1  }
0x56: {  	v1 =	vmul.f32 v1, v0;
	_ =	sdelay $0x1  }
0x57: {  	[tilespmem:s28+$0x20] =	vst v1  }
0x58: {  	v1 =	vld [tilespmem:s29+$0x30];
	_ =	sdelay $0x4  }
0x59: {  	v0 =	vmul.f32 v1, v0;
	_ =	sdelay $0x1  }
0x5a: {  	s31 =	simm.s32 $0x10;
	[tilespmem:s28+$0x30] =	vst v0  }
0x5b: {  	s30 =	simm.s32 $0x80;
	v0 =	vld [tilespmem:s31+$0x16030]  }
.LBB2_3:
0x5c: {  	p1 =	sne.s32 s30, $0x13C0;
	v1 =	vld [tilespmem:s31+$0x16530];
	_ =	sdelay $0x4  }
0x5d: {  	v0 =	vadd.f32 v1, v0;
	_ =	sdelay $0x1  }
0x5e: {  	v1 =	vmul.f32 $2.000000030e-01, v0  }
0x5f: {  	vm1 =	vge.f32 v0, $0.0e+00  }
0x60: {  	v0 =	vsel vm1, v0, v1  }
0x61: {  	v0 =	vmul.f32 $1.442695020e+00, v0;
	_ =	sdelay $0x1  }
0x62: {  	(erf) = vpow2.f32 v0;
	_ =	sdelay $0x8  }
0x63: {  	v0 =	vpop (erf)  }
0x64: {  	s28 =	sadd.s32 $0x90, s28;
	v1 =	vnsel vm0, $0x0, v0  }
0x65: {  	s29 =	sadd.s32 $0x80, s29;
	[tilespmem:s28+$0x40] =	vst v1  }
0x66: {  	v1 =	vld [tilespmem:s29+$0xFFFFFFC0];
	_ =	sdelay $0x2  }
0x67: {  	v2 =	vbroadcast v0, $0x0;
	_ =	sdelay $0x1  }
0x68: {  	v1 =	vmul.f32 v2, v1;
	_ =	sdelay $0x1  }
0x69: {  	[tilespmem:s28+$0xFFFFFFC0] =	vst v1  }
0x6a: {  	v1 =	vld [tilespmem:s29+$0xFFFFFFD0];
	_ =	sdelay $0x4  }
0x6b: {  	v1 =	vmul.f32 v2, v1;
	_ =	sdelay $0x1  }
0x6c: {  	[tilespmem:s28+$0xFFFFFFD0] =	vst v1  }
0x6d: {  	v1 =	vld [tilespmem:s29+$0xFFFFFFE0];
	_ =	sdelay $0x2  }
0x6e: {  	v2 =	vbroadcast v0, $0x1;
	_ =	sdelay $0x1  }
0x6f: {  	v1 =	vmul.f32 v2, v1;
	_ =	sdelay $0x1  }
0x70: {  	[tilespmem:s28+$0xFFFFFFE0] =	vst v1  }
0x71: {  	v1 =	vld [tilespmem:s29+$0xFFFFFFF0];
	_ =	sdelay $0x4  }
0x72: {  	v1 =	vmul.f32 v1, v2;
	_ =	sdelay $0x1  }
0x73: {  	[tilespmem:s28+$0xFFFFFFF0] =	vst v1  }
0x74: {  	v1 =	vld [tilespmem:s29+$0x0];
	_ =	sdelay $0x2  }
0x75: {  	v2 =	vbroadcast v0, $0x2;
	_ =	sdelay $0x1  }
0x76: {  	v1 =	vmul.f32 v1, v2;
	_ =	sdelay $0x1  }
0x77: {  	[tilespmem:s28+$0x0] =	vst v1  }
0x78: {  	v1 =	vld [tilespmem:s29+$0x10];
	_ =	sdelay $0x4  }
0x79: {  	v1 =	vmul.f32 v1, v2;
	_ =	sdelay $0x1  }
0x7a: {  	[tilespmem:s28+$0x10] =	vst v1  }
0x7b: {  	v1 =	vld [tilespmem:s29+$0x20];
	_ =	sdelay $0x2  }
0x7c: {  	v0 =	vbroadcast v0, $0x3;
	_ =	sdelay $0x1  }
0x7d: {  	v1 =	vmul.f32 v1, v0;
	_ =	sdelay $0x1  }
0x7e: {  	[tilespmem:s28+$0x20] =	vst v1  }
0x7f: {  	v1 =	vld [tilespmem:s29+$0x30];
	_ =	sdelay $0x3  }
.Ltmp0:
0x80: {  	(pc) =	sbr.rel @p1 .LBB2_3-.Ltmp0, $3  }
0x81: {  	v0 =	vmul.f32 v1, v0;
	_ =	sdelay $0x1  }
0x82: {  	s31 =	sshra.s32 s30, $0x2;
	[tilespmem:s28+$0x30] =	vst v0  }
0x83: {  	s30 =	sadd.s32 $0x40, s30;
	v0 =	vld [tilespmem:s31+$0x16030]  }
0x84: {  	v1 =	vld [tilespmem:s31+$0x16530];
	_ =	sdelay $0x4  }
0x85: {  	v0 =	vadd.f32 v1, v0;
	_ =	sdelay $0x1  }
0x86: {  	v1 =	vmul.f32 $2.000000030e-01, v0  }
0x87: {  	vm1 =	vge.f32 v0, $0.0e+00  }
0x88: {  	v0 =	vsel vm1, v0, v1  }
0x89: {  	v0 =	vmul.f32 $1.442695020e+00, v0;
	_ =	sdelay $0x1  }
0x8a: {  	(erf) = vpow2.f32 v0;
	_ =	sdelay $0x8  }
0x8b: {  	v0 =	vpop (erf)  }
0x8c: {  	s28 =	sadd.s32 $0x90, s28;
	v61 =	vnsel vm0, $0x0, v0  }
0x8d: {  	s29 =	sadd.s32 $0x80, s29;
	[tilespmem:s28+$0x40] =	vst v61  }
0x8e: {  	v1 =	vld [tilespmem:s29+$0xFFFFFFC0];
	_ =	sdelay $0x2  }
0x8f: {  	v2 =	vbroadcast v0, $0x0;
	_ =	sdelay $0x1  }
0x90: {  	v1 =	vmul.f32 v2, v1;
	_ =	sdelay $0x1  }
0x91: {  	[tilespmem:s28+$0xFFFFFFC0] =	vst v1  }
0x92: {  	v1 =	vld [tilespmem:s29+$0xFFFFFFD0];
	_ =	sdelay $0x4  }
0x93: {  	v1 =	vmul.f32 v2, v1;
	_ =	sdelay $0x1  }
0x94: {  	[tilespmem:s28+$0xFFFFFFD0] =	vst v1  }
0x95: {  	v1 =	vld [tilespmem:s29+$0xFFFFFFE0];
	_ =	sdelay $0x2  }
0x96: {  	v62 =	vbroadcast v0, $0x1;
	_ =	sdelay $0x1  }
0x97: {  	v1 =	vmul.f32 v62, v1;
	_ =	sdelay $0x1  }
0x98: {  	[tilespmem:s28+$0xFFFFFFE0] =	vst v1  }
0x99: {  	v1 =	vld [tilespmem:s29+$0xFFFFFFF0];
	_ =	sdelay $0x4  }
0x9a: {  	v1 =	vmul.f32 v1, v62;
	_ =	sdelay $0x1  }
0x9b: {  	[tilespmem:s28+$0xFFFFFFF0] =	vst v1  }
0x9c: {  	v1 =	vld [tilespmem:s29+$0x0];
	_ =	sdelay $0x2  }
0x9d: {  	v63 =	vbroadcast v0, $0x2;
	_ =	sdelay $0x1  }
0x9e: {  	v1 =	vmul.f32 v1, v63;
	_ =	sdelay $0x1  }
0x9f: {  	[tilespmem:s28+$0x0] =	vst v1  }
0xa0: {  	v1 =	vld [tilespmem:s29+$0x10];
	_ =	sdelay $0x4  }
0xa1: {  	v1 =	vmul.f32 v1, v63;
	_ =	sdelay $0x1  }
0xa2: {  	[tilespmem:s28+$0x10] =	vst v1  }
0xa3: {  	v1 =	vld [tilespmem:s29+$0x20];
	_ =	sdelay $0x2  }
0xa4: {  	v0 =	vbroadcast v0, $0x3;
	_ =	sdelay $0x1  }
0xa5: {  	v1 =	vmul.f32 v1, v0;
	_ =	sdelay $0x1  }
0xa6: {  	[tilespmem:s28+$0x20] =	vst v1  }
0xa7: {  	v1 =	vld [tilespmem:s29+$0x30];
	_ =	sdelay $0x4  }
0xa8: {  	s26 =	sadd.s32 $0x1, s26;
	v0 =	vmul.f32 v1, v0  }
0xa9: {  	p1 =	sne.s32 s26, $0x7D  }
.Ltmp1:
0xaa: {  	[tilespmem:s28+$0x30] =	vst v0;
	(pc) =	sbr.rel @p1 .LBB2_2-.Ltmp1, $4  }
0xab: {  	[spmem:s1] =	stream.indirect.scatter.add.f32 [tilespmem:s25], [sflag:$0x2], $0x90, s19, s20, $0xb8;
	[tilespmem:$0x1BF30] =	vst v63  }
0xac: {  	_ =	swait.ge [sflag:s16], $0x2D00  }
0xad: {  	[sflag:s16] =	ssyncset.done $0x0  }
0xae: {  	[sflag:s16] =	ssyncadd.s32 $0xFFFFD300  }
0xaf: {  	[bflag:$0x0] =	sbarrier.arrive $0xFFFF  }
0xb0: {  	[hbm:s12], [sflag:s9] =	dma.local [spmem:s15], $0x2BE0  }
0xb1: {  	s2 =	sadd.s32 $0x1, s2;
	_ =	swait.ge [sflag:s16], $0x2BE0  }
0xb2: {  	p1 =	sne.s32 s2, s14;
	[sflag:s16] =	ssyncset.done $0x0  }
.Ltmp2:
0xb3: {  	s26 =	simm.s32 @!p0 $0x2;
	[sflag:s16] =	ssyncadd.s32 $0xFFFFD420;
	(pc) =	sbr.rel @p1 .LBB2_1-.Ltmp2, $4  }
0xb4: {  	[hbm:s13], [sflag:s9] =	dma.local @!p0 [spmem:s17], $0x120  }
0xb5: {  	_ =	swait.ge @!p0 [sflag:s26], $0x120  }
0xb6: {  	[sflag:s26] =	ssyncset.done @!p0 $0x0  }
0xb7: {  	[sflag:s26] =	ssyncadd.s32 @!p0 $0xFFFFFEE0  }
0xb8: {  	_ =	sfence.sel $0x180000  }
0xb9: {  	[bflag:$0x0] =	sbarrier.arrive $0xFFFF  }
0xba: {  	_ =	strace $0x90000047  }
0xbb: {  	s0 =	sadd.s32 @!p0 $0x100000, s0;
	[bflag:$0x2] =	sbarrier.arrive $0xFFFF  }
0xbc: {  	[sflag:s0] =	ssyncadd.tile.s32 @!p0 $0x1;
	_ =	shalt  }
.Lfunc_end2:
_tile_overlayer_lowered:
.L_overlay_start_2:
0xbd: {  	(tag) =	ssettag $0x2  }
0xbe: {  	s0 =	rddreg [dreg:$0x0];
	s2 =	stileid.u32  }
0xbf: {  	s1 =	rddreg [dreg:$0x1];
	p0 =	sne.s32 s2, $0x0  }
0xc0: {  	s3 =	rddreg [dreg:$0x2];
	[bflag:$0x3] =	sbarrier.arrive $0xFFFF;
	s2 =	simm.s32 @!p0 $0x1C02  }
0xc1: {  	[timem:s3], [sflag:s2] =	dma.local @!p0 [hbm:s0], s1  }
0xc2: {  	s0 =	simm.s32 @!p0 $0x2  }
0xc3: {  	_ =	swait.ge @!p0 [sflag:s0], s1  }
0xc4: {  	s1 =	ssub.s32 @!p0 $0x0, s1;
	[sflag:s0] =	ssyncset.done @!p0 $0x0  }
0xc5: {  	[sflag:s0] =	ssyncadd.s32 @!p0 s1  }
0xc6: {  	[bflag:$0x3] =	sbarrier.arrive $0xFFFF  }
0xc7: {  	_ =	shalt  }

// kernel: kernel.14.cloned.1.call-start
scs
__scs_entry_jumppad:
0x0: {  	(pc) =	sbr.rel $0x88, $3  }
0x1: {  	(tag) =	ssettag $0x0;
	lr =	simm.s32 $0x1  }
0x2: {  	[smem:$0x3F8D] =	sst lr;
	_ =	strace $0xD0000000  }
0x3: {  	_ = 	snop  }
0x4: {  	_ = 	snop  }
0x5: {  	_ = 	snop  }
0x6: {  	_ = 	snop  }
0x7: {  	_ = 	snop  }
__scs_overlays_trampoline_lowered:
0x8: {  	[smem:$0x3F9C] =	sst s0  }
0x9: {  	[smem:$0x3F9D] =	sst s1  }
0xa: {  	[smem:$0x3F9E] =	sst s2  }
0xb: {  	[smem:$0x3F9F] =	sst s3  }
0xc: {  	[smem:$0x3FA0] =	sst s4  }
0xd: {  	[smem:$0x3FA1] =	sst s5  }
0xe: {  	[smem:$0x3FA2] =	sst s6  }
0xf: {  	[smem:$0x3FA3] =	sst s7  }
0x10: {  	[smem:$0x3FA4] =	sst s8  }
0x11: {  	[smem:$0x3FA5] =	sst s9;
	s0 =	simm.s32 @!p0 $0x0  }
0x12: {  	s1 =	sld [smem:$0x3F8B];
	s0 =	simm.s32 @p0 $0x1  }
0x13: {  	[smem:$0x3FA6] =	sst s0;
	s0 =	simm.s32 @!p1 $0x0  }
0x14: {  	s2 =	sld [smem:$0x3F8A];
	s0 =	simm.s32 @p1 $0x1  }
0x15: {  	[smem:$0x3FA7] =	sst s0;
	s0 =	simm.s32 @!p2 $0x0  }
0x16: {  	s3 =	sld [smem:$0x3FDB];
	s0 =	simm.s32 @p2 $0x1  }
0x17: {  	s4 =	simm.s32 $0x1BF5;
	[smem:$0x3FA9] =	sst s0  }
0x18: {  	s0 =	sld [smem:$0x3F8C];
	_ =	swait.ge [sflag:s4], $0x0  }
0x19: {  	s7 =	sld [smem:$0x3F8D]  }
0x1a: {  	s8 =	sadd.s32 $0xFFFFE003, lr  }
0x1b: {  	s9 =	sadd.s32 $0xFFFFFEF7, lr;
	s5 =	simm.s32 $0xFFFFFFFF;
	p2 =	slt.u32 s8, $0xFFFFF086  }
0x1c: {  	p1 =	slt.u32 s9, $0xF7A;
	s5 =	simm.s32 @!p2 $0x0  }
0x1d: {  	s5 =	simm.s32 @p1 $0x1;
	p0 =	seq.s32 s7, s2  }
0x1e: {  	s7 =	smul.u32 @!p0 $0xF7A, s2;
	p2 =	seq.s32 @!p0 s5, $0x0  }
0x1f: {  	s9 =	smul.u32 $0xF7A, s1;
	s8 =	simm.s32 @!p0 $0x1BF5;
	p2 =	por !p2, p0  }
0x20: {  	[sflag:s8] =	ssyncset.s32 @!p0 $0xFFFFF086;
	s6 =	sadd.s32 @!p0 s3, s7;
	s7 =	simm.s32 @!p0 $0x108  }
0x21: {  	s3 =	sadd.s32 s3, s9;
	s6 =	sadd.s32 @!p0 $0x88, s6;
	s7 =	simm.s32 @p2 $0x1082  }
0x22: {  	[simem:s7], [sflag:s8] =	dma.local @!p0 [hbm:s6], $0xF7A  }
0x23: {  	s9 =	sor.u32 $0xD0000000, s2;
	s6 =	simm.s32 $0x108;
	_ =	swait.ge @!p0 [sflag:s8], $0x0  }
0x24: {  	s3 =	sadd.s32 $0x88, s3;
	s6 =	simm.s32 @!p1 $0x1082;
	[sflag:s4] =	ssyncset.s32 $0xFFFFF086  }
0x25: {  	[simem:s6], [sflag:s4] =	dma.local [hbm:s3], $0xF7A  }
0x26: {  	[smem:$0x3F8D] =	sst s1;
	(tag) =	ssettag s2;
	_ =	strace s9  }
0x27: {  	s1 =	sld [smem:$0x3F9D]  }
0x28: {  	s2 =	sld [smem:$0x3F9E]  }
0x29: {  	s4 =	sld [smem:$0x3FA0]  }
0x2a: {  	p0 =	seq.s32 s5, $0x0;
	s5 =	sld [smem:$0x3FA1]  }
0x2b: {  	s6 =	sld [smem:$0x3FA2]  }
0x2c: {  	s7 =	sld [smem:$0x3FA3]  }
0x2d: {  	s3 =	simm.s32 $0x108;
	s8 =	sld [smem:$0x3FA4]  }
0x2e: {  	s3 =	simm.s32 @!p0 $0x1082;
	s9 =	sld [smem:$0x3FA5]  }
0x2f: {  	lr =	sadd.s32 s0, s3;
	s0 =	sld [smem:$0x3F9C]  }
0x30: {  	s3 =	sld [smem:$0x3F9F]  }
0x31: {  	[smem:$0x3FA8] =	sst s10  }
0x32: {  	s10 =	sld [smem:$0x3FA6];
	_ =	sdelay $0x3  }
0x33: {  	p0 =	seq.s32 s10, $0x1;
	s10 =	sld [smem:$0x3FA8];
	_ =	sdelay $0x3  }
0x34: {  	[smem:$0x3FA8] =	sst s10  }
0x35: {  	s10 =	sld [smem:$0x3FA7];
	_ =	sdelay $0x3  }
0x36: {  	p1 =	seq.s32 s10, $0x1;
	s10 =	sld [smem:$0x3FA8];
	_ =	sdelay $0x3  }
0x37: {  	[smem:$0x3FA8] =	sst s10  }
0x38: {  	s10 =	sld [smem:$0x3FA9]  }
0x39: {  	_ = 	snop;
	(pc) =	sbr.ind lr, $3  }
0x3a: {  	_ = 	snop  }
0x3b: {  	_ = 	snop  }
0x3c: {  	p2 =	seq.s32 s10, $0x1;
	s10 =	sld [smem:$0x3FA8]  }
0x3d: {  	_ =	shalt  }
0x3e: {  	_ =	shalt  }
0x3f: {  	_ =	shalt  }
0x40: {  	_ =	shalt  }
0x41: {  	_ =	shalt  }
0x42: {  	_ =	shalt  }
0x43: {  	_ =	shalt  }
0x44: {  	_ =	shalt  }
0x45: {  	_ =	shalt  }
0x46: {  	_ =	shalt  }
0x47: {  	_ =	shalt  }
0x48: {  	_ =	shalt  }
0x49: {  	_ =	shalt  }
0x4a: {  	_ =	shalt  }
0x4b: {  	_ =	shalt  }
0x4c: {  	_ =	shalt  }
0x4d: {  	_ =	shalt  }
0x4e: {  	_ =	shalt  }
0x4f: {  	_ =	shalt  }
0x50: {  	_ =	shalt  }
0x51: {  	_ =	shalt  }
0x52: {  	_ =	shalt  }
0x53: {  	_ =	shalt  }
0x54: {  	_ =	shalt  }
0x55: {  	_ =	shalt  }
0x56: {  	_ =	shalt  }
0x57: {  	_ =	shalt  }
0x58: {  	_ =	shalt  }
0x59: {  	_ =	shalt  }
0x5a: {  	_ =	shalt  }
0x5b: {  	_ =	shalt  }
0x5c: {  	_ =	shalt  }
0x5d: {  	_ =	shalt  }
0x5e: {  	_ =	shalt  }
0x5f: {  	_ =	shalt  }
0x60: {  	_ =	shalt  }
0x61: {  	_ =	shalt  }
0x62: {  	_ =	shalt  }
0x63: {  	_ =	shalt  }
0x64: {  	_ =	shalt  }
0x65: {  	_ =	shalt  }
0x66: {  	_ =	shalt  }
0x67: {  	_ =	shalt  }
0x68: {  	_ =	shalt  }
0x69: {  	_ =	shalt  }
0x6a: {  	_ =	shalt  }
0x6b: {  	_ =	shalt  }
0x6c: {  	_ =	shalt  }
0x6d: {  	_ =	shalt  }
0x6e: {  	_ =	shalt  }
0x6f: {  	_ =	shalt  }
0x70: {  	_ =	shalt  }
0x71: {  	_ =	shalt  }
0x72: {  	_ =	shalt  }
0x73: {  	_ =	shalt  }
0x74: {  	_ =	shalt  }
0x75: {  	_ =	shalt  }
0x76: {  	_ =	shalt  }
0x77: {  	_ =	shalt  }
0x78: {  	_ =	shalt  }
0x79: {  	_ =	shalt  }
0x7a: {  	_ =	shalt  }
0x7b: {  	_ =	shalt  }
0x7c: {  	_ =	shalt  }
0x7d: {  	_ =	shalt  }
0x7e: {  	_ =	shalt  }
0x7f: {  	_ =	shalt  }
0x80: {  	_ =	shalt  }
0x81: {  	_ =	shalt  }
0x82: {  	_ =	shalt  }
0x83: {  	_ =	shalt  }
0x84: {  	_ =	shalt  }
0x85: {  	_ =	shalt  }
0x86: {  	_ =	shalt  }
0x87: {  	_ =	shalt  }
.Lfunc_end0:
.L_simem_size_0:
called_computation.1_lowered:
.L_overlay_start_0:
0x88: {  	s2 =	sld [smem:$0x3FD9]  }
0x89: {  	s3 =	sld [smem:$0x3FFE];
	_ =	sdelay $0x1  }
0x8a: {  	s1 =	srdreg.scid  }
0x8b: {  	s0 =	sand.u32 $0x1, s1  }
0x8c: {  	s16 =	sshll.u32 s0, $0xA;
	s2 =	sadd.s32 s3, s2  }
0x8d: {  	s2 =	sadd.s32 s2, s16  }
0x8e: {  	[smem:$0x3FB4] =	sst s2  }
0x8f: {  	_ = 	snop  }
0x90: {  	(tm) =	ssettm $0x1  }
0x91: {  	s17 =	sld [smem:$0x3FFB];
	_ =	sdelay $0x3  }
0x92: {  	_ =	strace s17  }
0x93: {  	s2 =	sld [smem:$0x3FFC];
	_ =	sdelay $0x3  }
0x94: {  	_ =	strace s2  }
0x95: {  	s2 =	sld [smem:$0x3FFD];
	_ =	sdelay $0x3  }
0x96: {  	_ =	strace s2  }
0x97: {  	_ =	strace $0x8FFFFFFF  }
0x98: {  	s18 =	sld [smem:$0x3FDB];
	_ =	sdelay $0x1  }
0x99: {  	s19 =	simm.s32 $_scs_section_size  }
0x9a: {  	s4 =	simm.s32 $_size__tile_overlayer_lowered;
	s5 =	simm.s32 $_tile_overlayer_lowered  }
0x9b: {  	s22 =	simm.s32 $0x1BFF;
	s21 =	sshll.u32 s5, $0x1;
	s2 =	sadd.s32 s19, s18  }
0x9c: {  	s6 =	simm.s32 $0x0;
	s20 =	sshll.u32 s4, $0x1;
	s4 =	sadd.s32 s21, s2  }
0x9d: {  	[timem:s6], [sflag:s22] =	dma.local [hbm:s4], s20  }
0x9e: {  	_ =	swait.ge [sflag:s22], s20  }
0x9f: {  	s3 =	ssub.s32 $0x0, s20;
	[sflag:s22] =	ssyncset.done $0x0  }
0xa0: {  	[sflag:s22] =	ssyncadd.s32 s3;
	_ =	sdelay $0x1  }
0xa1: {  	s23 =	simm.s32 $0x1B8B  }
0xa2: {  	_ =	swait.ge [sflag:s23], $0x1  }
0xa3: {  	[sflag:s23] =	ssyncset.done $0x0  }
0xa4: {  	s25 =	simm.s32 $0x1B8E;
	s24 =	sld [smem:$0x3FFE];
	[sflag:s23] =	ssyncadd.s32 $0xFFFFFFFF  }
0xa5: {  	s26 =	simm.s32 $execute0_lowered;
	[smem:$0x3FD2] =	sst s25  }
0xa6: {  	s4 =	sshll.u32 s26, $0x1;
	_ =	strace $0x80000049;
	[dreg:$0x1] =	wrdreg $0xFFFFFFFF  }
0xa7: {  	s28 =	simm.s32 $_size_execute0_lowered;
	s2 =	sadd.s32 s2, s4;
	[dreg:$0x0] =	wrdreg $0x0  }
0xa8: {  	s4 =	sshll.u32 s28, $0x1;
	[dreg:$0x2] =	wrdreg s2  }
0xa9: {  	[dreg:$0x3] =	wrdreg s4  }
0xaa: {  	[dreg:$0x4] =	wrdreg $0xC0  }
0xab: {  	_ =	task [dreg:s6], $0x5FFFF  }
0xac: {  	[dreg:$0x1] =	wrdreg $0xFFFFFFFF  }
0xad: {  	[dreg:$0x0] =	wrdreg $0x60  }
0xae: {  	[dreg:$0x2] =	wrdreg s24  }
0xaf: {  	[dreg:$0x3] =	wrdreg $0x0  }
0xb0: {  	[dreg:$0x4] =	wrdreg $0x9  }
0xb1: {  	_ =	task.clear_ibuf [dreg:s6], $0x5FFFF;
	_ =	strace $0x90000049  }
0xb2: {  	s29 =	simm.s32 $0x9;
	_ =	strace $0x8000004B  }
0xb3: {  	_ =	swait.ge [sflag:s29], $0x1  }
0xb4: {  	[sflag:s29] =	ssyncadd.s32 $0xFFFFFFFF  }
0xb5: {  	_ =	strace $0x9000004B  }
0xb6: {  	_ =	sfence  }
0xb7: {  	s30 =	sld [smem:$0x0];
	_ =	sdelay $0x2  }
0xb8: {  	s31 =	sshll.u32 s1, $0xD;
	s1 =	sshrl.u32 s1, $0x2  }
0xb9: {  	s3 =	sand.u32 $0x4000, s31;
	s1 =	sadd.s32 s1, s30  }
0xba: {  	s0 =	sor.u32 s3, s0;
	s1 =	sshll.u32 s1, $0x11  }
0xbb: {  	s0 =	sor.u32 s1, s0  }
0xbc: {  	s0 =	sadd.s32 $0x8F2B, s0  }
0xbd: {  	[sflag:s0] =	ssyncadd.remote.s32 $0x1  }
0xbe: {  	_ =	sfence.sel $0xFFFF  }
0xbf: {  	[dreg:$0x0] =	wrdreg $0xFFFFFFFF;
	(pc) =	sbr.abs _section_cstart, $3  }
0xc0: {  	[dreg:$0x1] =	wrdreg $0xFFFFFFFF  }
0xc1: {  	_ =	task.clear_ibuf [dreg:s6], $0x2FFFF;
	_ =	strace $0x9FFFFFFF  }
0xc2: {  	(tm) =	ssettm $0x7FFFFFFF  }
0xc3: {  	_ =	shalt  }
tec
execute0_lowered:
.L_overlay_start_1:
0x0: {  	(tag) =	ssettag $0x1  }
0x1: {  	s10 =	rddreg [dreg:$0x0]  }
0x2: {  	s1 =	rddreg [dreg:$0x1]  }
0x3: {  	s0 =	rddreg [dreg:$0x2];
	s2 =	simm.s32 $0x0;
	s15 =	stileid.u32  }
0x4: {  	s7 =	srdreg.scid;
	s20 =	simm.s32 $0x50;
	s21 =	simm.s32 $0xC3F0  }
0x5: {  	s22 =	simm.s32 $0x1;
	s23 =	simm.s32 $0xC8F0;
	s24 =	simm.s32 $0xCDF0  }
0x6: {  	[smem:$0x7FF] =	sst s2;
	s3 =	sadd.s32 $0x16800, s10;
	s4 =	sadd.s32 $0x2A200, s10  }
0x7: {  	s11 =	smul.u32 $0xC300, s15;
	s5 =	sadd.s32 $0x2F200, s10;
	s6 =	sadd.s32 $0xCA00, s10  }
0x8: {  	s8 =	sand.u32 $0x1, s7;
	s7 =	sadd.s32 $0x2C00, s10;
	s16 =	sadd.s32 $0x4CA00, s10  }
0x9: {  	s26 =	sshll.u32 s15, $0x6;
	s19 =	sadd.s32 $0xC3000, s1;
	p0 =	sne.s32 s15, $0x0  }
0xa: {  	_ =	strace $0x8000004A;
	s12 =	ssub.s32 $0x2, s8;
	s14 =	sshll.u32 s8, $0x4  }
0xb: {  	s28 =	smul.u32 $0xC3500, s8;
	s9 =	sshrl.u32 s11, $0x3;
	s13 =	sshrl.u32 s12, $0x1  }
0xc: {  	s25 =	sor.u32 s15, s14;
	s18 =	sadd.s32 s11, s1;
	s9 =	sadd.s32 s9, s10  }
0xd: {  	s17 =	ssub.s32 s12, s13;
	s10 =	sadd.s32 $0x4C800, s10;
	s29 =	sadd.s32 s11, s28  }
0xe: {  	s14 =	sshrl.u32 s28, $0x3;
	s11 =	smul.u32 $0x2710, s25;
	s15 =	sshrl.u32 s18, $0x3  }
0xf: {  	s18 =	simm.s32 $0xC350;
	s25 =	simm.s32 $0xE1F0;
	s8 =	sadd.s32 $0x34200, s9  }
0x10: {  	s9 =	sor.u32 $0x1C02, s26;
	s30 =	sshrl.u32 s29, $0x3;
	s31 =	sadd.s32 s16, s14  }
0x11: {  	s14 =	smax.u32 s17, $0x1;
	s17 =	sshrl.u32 @!p0 s19, $0x3;
	s19 =	simm.s32 $0xC3A0  }
0x12: {  	vm0 =	vmmov $0x1;
	s12 =	sadd.s32 s16, s30;
	s13 =	sadd.s32 $0x18600, s31;
	s16 =	simm.s32 $0x2  }
.LBB2_1:
0x13: {  	[spmem:s15], [sflag:s9] =	dma.local [hbm:s8], $0x1860  }
0x14: {  	_ =	swait.ge [sflag:s16], $0x1860  }
0x15: {  	[sflag:s16] =	ssyncset.done $0x0  }
0x16: {  	s26 =	simm.s32 @!p0 $0x2;
	[sflag:s16] =	ssyncadd.s32 $0xFFFFE7A0  }
0x17: {  	[spmem:s17], [sflag:s9] =	dma.local @!p0 [hbm:s10], $0xA0  }
0x18: {  	_ =	swait.ge @!p0 [sflag:s26], $0xA0  }
0x19: {  	[sflag:s26] =	ssyncset.done @!p0 $0x0  }
0x1a: {  	[sflag:s26] =	ssyncadd.s32 @!p0 $0xFFFFFF60  }
0x1b: {  	s26 =	simm.s32 $0x0;
	[bflag:$0x0] =	sbarrier.arrive $0xFFFF  }
.LBB2_2:
0x1c: {  	s28 =	smul.u32 $0x50, s26;
	_ =	sdelay $0x1  }
0x1d: {  	s28 =	sadd.s32 s11, s28  }
0x1e: {  	s28 =	sshrl.u32 s28, $0x3  }
0x1f: {  	s30 =	simm.s32 $0x0;
	s29 =	sadd.s32 s6, s28  }
0x20: {  	[tilespmem:s18], [sflag:$0x2] =	stream.linear.gather [hbm4b:s29+s30], $0x50, $0x38;
	[tilespmem:$0xFAF0] =	vst v63  }
0x21: {  	_ =	swait.ge [sflag:s16], $0x50  }
0x22: {  	[sflag:s16] =	ssyncset.done $0x0  }
0x23: {  	s28 =	sadd.s32 s7, s28;
	[sflag:s16] =	ssyncadd.s32 $0xFFFFFFB0  }
0x24: {  	[tilespmem:s19], [sflag:$0x2] =	stream.linear.gather [hbm4b:s28+s30], $0x50, $0x38;
	[tilespmem:$0xFAF0] =	vst v63  }
0x25: {  	_ =	swait.ge [sflag:s16], $0x50  }
0x26: {  	[sflag:s16] =	ssyncset.done $0x0  }
0x27: {  	[sflag:s16] =	ssyncadd.s32 $0xFFFFFFB0  }
0x28: {  	[tilespmem:s21], [sflag:$0x1] =	stream.indirect.gather [hbm4b:s4+s20], $0x10, s18, s20, $0xb8;
	[tilespmem:$0xFAF0] =	vst v63  }
0x29: {  	_ =	swait.ge [sflag:s22], $0x500  }
0x2a: {  	[sflag:s22] =	ssyncset.done $0x0  }
0x2b: {  	[sflag:s22] =	ssyncadd.s32 $0xFFFFFB00  }
0x2c: {  	[tilespmem:s23], [sflag:$0x1] =	stream.indirect.gather [hbm4b:s5+s20], $0x10, s19, s20, $0xb8;
	[tilespmem:$0xFAF0] =	vst v63  }
0x2d: {  	_ =	swait.ge [sflag:s22], $0x500  }
0x2e: {  	[sflag:s22] =	ssyncset.done $0x0  }
0x2f: {  	[sflag:s22] =	ssyncadd.s32 $0xFFFFFB00  }
0x30: {  	[tilespmem:s24], [sflag:$0x1] =	stream.indirect.gather [hbm4b:s3+s20], $0x40, s18, s20, $0xb8;
	[tilespmem:$0xFAF0] =	vst v63  }
0x31: {  	_ =	swait.ge [sflag:s22], $0x1400  }
0x32: {  	[sflag:s22] =	ssyncset.done $0x0  }
0x33: {  	s28 =	simm.s32 $0x0;
	[sflag:s22] =	ssyncadd.s32 $0xFFFFEC00  }
0x34: {  	v0 =	vld [tilespmem:s28+$0xC3F0]  }
0x35: {  	v1 =	vld [tilespmem:s28+$0xC8F0];
	_ =	sdelay $0x4  }
0x36: {  	v0 =	vadd.f32 v1, v0;
	_ =	sdelay $0x1  }
0x37: {  	v1 =	vmul.f32 $2.000000030e-01, v0  }
0x38: {  	vm1 =	vge.f32 v0, $0.0e+00  }
0x39: {  	v0 =	vsel vm1, v0, v1  }
0x3a: {  	v0 =	vmul.f32 $1.442695020e+00, v0;
	_ =	sdelay $0x1  }
0x3b: {  	(erf) = vpow2.f32 v0;
	_ =	sdelay $0x8  }
0x3c: {  	v0 =	vpop (erf)  }
0x3d: {  	s28 =	simm.s32 $0xE210;
	v1 =	vnsel vm0, $0x0, v0  }
0x3e: {  	s29 =	simm.s32 $0xCE10;
	[tilespmem:s28+$0x20] =	vst v1  }
0x3f: {  	v1 =	vld [tilespmem:s29+$0xFFFFFFE0];
	_ =	sdelay $0x2  }
0x40: {  	v0 =	vbroadcast v0, $0x0;
	_ =	sdelay $0x1  }
0x41: {  	v1 =	vmul.f32 v0, v1;
	_ =	sdelay $0x1  }
0x42: {  	[tilespmem:s28+$0xFFFFFFE0] =	vst v1  }
0x43: {  	v1 =	vld [tilespmem:s29+$0xFFFFFFF0];
	_ =	sdelay $0x4  }
0x44: {  	v1 =	vmul.f32 v0, v1;
	_ =	sdelay $0x1  }
0x45: {  	[tilespmem:s28+$0xFFFFFFF0] =	vst v1  }
0x46: {  	v1 =	vld [tilespmem:s29+$0x0];
	_ =	sdelay $0x4  }
0x47: {  	v1 =	vmul.f32 v0, v1;
	_ =	sdelay $0x1  }
0x48: {  	[tilespmem:s28+$0x0] =	vst v1  }
0x49: {  	v1 =	vld [tilespmem:s29+$0x10];
	_ =	sdelay $0x4  }
0x4a: {  	v0 =	vmul.f32 v1, v0;
	_ =	sdelay $0x1  }
0x4b: {  	s31 =	simm.s32 $0x10;
	[tilespmem:s28+$0x10] =	vst v0  }
0x4c: {  	s30 =	simm.s32 $0x80;
	v0 =	vld [tilespmem:s31+$0xC3F0]  }
.LBB2_3:
0x4d: {  	p1 =	sne.s32 s30, $0x13C0;
	v1 =	vld [tilespmem:s31+$0xC8F0];
	_ =	sdelay $0x4  }
0x4e: {  	v0 =	vadd.f32 v1, v0;
	_ =	sdelay $0x1  }
0x4f: {  	v1 =	vmul.f32 $2.000000030e-01, v0  }
0x50: {  	vm1 =	vge.f32 v0, $0.0e+00  }
0x51: {  	v0 =	vsel vm1, v0, v1  }
0x52: {  	v0 =	vmul.f32 $1.442695020e+00, v0;
	_ =	sdelay $0x1  }
0x53: {  	(erf) = vpow2.f32 v0;
	_ =	sdelay $0x8  }
0x54: {  	v0 =	vpop (erf)  }
0x55: {  	s28 =	sadd.s32 $0x50, s28;
	v1 =	vnsel vm0, $0x0, v0  }
0x56: {  	s29 =	sadd.s32 $0x40, s29;
	[tilespmem:s28+$0x20] =	vst v1  }
0x57: {  	v1 =	vld [tilespmem:s29+$0xFFFFFFE0];
	_ =	sdelay $0x2  }
0x58: {  	v0 =	vbroadcast v0, $0x0;
	_ =	sdelay $0x1  }
0x59: {  	v1 =	vmul.f32 v0, v1;
	_ =	sdelay $0x1  }
0x5a: {  	[tilespmem:s28+$0xFFFFFFE0] =	vst v1  }
0x5b: {  	v1 =	vld [tilespmem:s29+$0xFFFFFFF0];
	_ =	sdelay $0x4  }
0x5c: {  	v1 =	vmul.f32 v0, v1;
	_ =	sdelay $0x1  }
0x5d: {  	[tilespmem:s28+$0xFFFFFFF0] =	vst v1  }
0x5e: {  	v1 =	vld [tilespmem:s29+$0x0];
	_ =	sdelay $0x4  }
0x5f: {  	v1 =	vmul.f32 v0, v1;
	_ =	sdelay $0x1  }
0x60: {  	[tilespmem:s28+$0x0] =	vst v1  }
0x61: {  	v1 =	vld [tilespmem:s29+$0x10];
	_ =	sdelay $0x3  }
.Ltmp0:
0x62: {  	(pc) =	sbr.rel @p1 .LBB2_3-.Ltmp0, $3  }
0x63: {  	v0 =	vmul.f32 v1, v0;
	_ =	sdelay $0x1  }
0x64: {  	s31 =	sshra.s32 s30, $0x2;
	[tilespmem:s28+$0x10] =	vst v0  }
0x65: {  	s30 =	sadd.s32 $0x40, s30;
	v0 =	vld [tilespmem:s31+$0xC3F0]  }
0x66: {  	v1 =	vld [tilespmem:s31+$0xC8F0];
	_ =	sdelay $0x4  }
0x67: {  	v0 =	vadd.f32 v1, v0;
	_ =	sdelay $0x1  }
0x68: {  	v1 =	vmul.f32 $2.000000030e-01, v0  }
0x69: {  	vm1 =	vge.f32 v0, $0.0e+00  }
0x6a: {  	v0 =	vsel vm1, v0, v1  }
0x6b: {  	v0 =	vmul.f32 $1.442695020e+00, v0;
	_ =	sdelay $0x1  }
0x6c: {  	(erf) = vpow2.f32 v0;
	_ =	sdelay $0x8  }
0x6d: {  	v0 =	vpop (erf)  }
0x6e: {  	s28 =	sadd.s32 $0x50, s28;
	v63 =	vnsel vm0, $0x0, v0  }
0x6f: {  	s29 =	sadd.s32 $0x40, s29;
	[tilespmem:s28+$0x20] =	vst v63  }
0x70: {  	v1 =	vld [tilespmem:s29+$0xFFFFFFE0];
	_ =	sdelay $0x2  }
0x71: {  	v0 =	vbroadcast v0, $0x0;
	_ =	sdelay $0x1  }
0x72: {  	v1 =	vmul.f32 v0, v1;
	_ =	sdelay $0x1  }
0x73: {  	[tilespmem:s28+$0xFFFFFFE0] =	vst v1  }
0x74: {  	v1 =	vld [tilespmem:s29+$0xFFFFFFF0];
	_ =	sdelay $0x4  }
0x75: {  	v1 =	vmul.f32 v0, v1;
	_ =	sdelay $0x1  }
0x76: {  	[tilespmem:s28+$0xFFFFFFF0] =	vst v1  }
0x77: {  	v1 =	vld [tilespmem:s29+$0x0];
	_ =	sdelay $0x4  }
0x78: {  	v1 =	vmul.f32 v0, v1;
	_ =	sdelay $0x1  }
0x79: {  	[tilespmem:s28+$0x0] =	vst v1  }
0x7a: {  	v1 =	vld [tilespmem:s29+$0x10];
	_ =	sdelay $0x4  }
0x7b: {  	s26 =	sadd.s32 $0x1, s26;
	v0 =	vmul.f32 v1, v0  }
0x7c: {  	p1 =	sne.s32 s26, $0x7D  }
.Ltmp1:
0x7d: {  	[tilespmem:s28+$0x10] =	vst v0;
	(pc) =	sbr.rel @p1 .LBB2_2-.Ltmp1, $4  }
0x7e: {  	[spmem:s1] =	stream.indirect.scatter.add.f32 [tilespmem:s25], [sflag:$0x2], $0x50, s19, s20, $0xb8;
	[tilespmem:$0xFAF0] =	vst v63  }
0x7f: {  	_ =	swait.ge [sflag:s16], $0x1900  }
0x80: {  	[sflag:s16] =	ssyncset.done $0x0  }
0x81: {  	[sflag:s16] =	ssyncadd.s32 $0xFFFFE700  }
0x82: {  	[bflag:$0x0] =	sbarrier.arrive $0xFFFF  }
0x83: {  	[hbm:s12], [sflag:s9] =	dma.local [spmem:s15], $0x1860  }
0x84: {  	s2 =	sadd.s32 $0x1, s2;
	_ =	swait.ge [sflag:s16], $0x1860  }
0x85: {  	p1 =	sne.s32 s2, s14;
	[sflag:s16] =	ssyncset.done $0x0  }
.Ltmp2:
0x86: {  	s26 =	simm.s32 @!p0 $0x2;
	[sflag:s16] =	ssyncadd.s32 $0xFFFFE7A0;
	(pc) =	sbr.rel @p1 .LBB2_1-.Ltmp2, $4  }
0x87: {  	[hbm:s13], [sflag:s9] =	dma.local @!p0 [spmem:s17], $0xA0  }
0x88: {  	_ =	swait.ge @!p0 [sflag:s26], $0xA0  }
0x89: {  	[sflag:s26] =	ssyncset.done @!p0 $0x0  }
0x8a: {  	[sflag:s26] =	ssyncadd.s32 @!p0 $0xFFFFFF60  }
0x8b: {  	_ =	sfence.sel $0x180000  }
0x8c: {  	[bflag:$0x0] =	sbarrier.arrive $0xFFFF  }
0x8d: {  	_ =	strace $0x9000004A  }
0x8e: {  	s0 =	sadd.s32 @!p0 $0x100000, s0;
	[bflag:$0x2] =	sbarrier.arrive $0xFFFF  }
0x8f: {  	[sflag:s0] =	ssyncadd.tile.s32 @!p0 $0x1;
	_ =	shalt  }
.Lfunc_end2:
_tile_overlayer_lowered:
.L_overlay_start_2:
0x90: {  	(tag) =	ssettag $0x2  }
0x91: {  	s0 =	rddreg [dreg:$0x0];
	s2 =	stileid.u32  }
0x92: {  	s1 =	rddreg [dreg:$0x1];
	p0 =	sne.s32 s2, $0x0  }
0x93: {  	s3 =	rddreg [dreg:$0x2];
	[bflag:$0x3] =	sbarrier.arrive $0xFFFF;
	s2 =	simm.s32 @!p0 $0x1C02  }
0x94: {  	[timem:s3], [sflag:s2] =	dma.local @!p0 [hbm:s0], s1  }
0x95: {  	s0 =	simm.s32 @!p0 $0x2  }
0x96: {  	_ =	swait.ge @!p0 [sflag:s0], s1  }
0x97: {  	s1 =	ssub.s32 @!p0 $0x0, s1;
	[sflag:s0] =	ssyncset.done @!p0 $0x0  }
0x98: {  	[sflag:s0] =	ssyncadd.s32 @!p0 s1  }
0x99: {  	[bflag:$0x3] =	sbarrier.arrive $0xFFFF  }
0x9a: {  	_ =	shalt  }

// kernel: kernel.17.cloned.1.call-start
scs
__scs_entry_jumppad:
0x0: {  	(pc) =	sbr.rel $0x88, $3  }
0x1: {  	(tag) =	ssettag $0x0;
	lr =	simm.s32 $0x1  }
0x2: {  	[smem:$0x3F8D] =	sst lr;
	_ =	strace $0xD0000000  }
0x3: {  	_ = 	snop  }
0x4: {  	_ = 	snop  }
0x5: {  	_ = 	snop  }
0x6: {  	_ = 	snop  }
0x7: {  	_ = 	snop  }
__scs_overlays_trampoline_lowered:
0x8: {  	[smem:$0x3F9C] =	sst s0  }
0x9: {  	[smem:$0x3F9D] =	sst s1  }
0xa: {  	[smem:$0x3F9E] =	sst s2  }
0xb: {  	[smem:$0x3F9F] =	sst s3  }
0xc: {  	[smem:$0x3FA0] =	sst s4  }
0xd: {  	[smem:$0x3FA1] =	sst s5  }
0xe: {  	[smem:$0x3FA2] =	sst s6  }
0xf: {  	[smem:$0x3FA3] =	sst s7  }
0x10: {  	[smem:$0x3FA4] =	sst s8  }
0x11: {  	[smem:$0x3FA5] =	sst s9;
	s0 =	simm.s32 @!p0 $0x0  }
0x12: {  	s1 =	sld [smem:$0x3F8B];
	s0 =	simm.s32 @p0 $0x1  }
0x13: {  	[smem:$0x3FA6] =	sst s0;
	s0 =	simm.s32 @!p1 $0x0  }
0x14: {  	s2 =	sld [smem:$0x3F8A];
	s0 =	simm.s32 @p1 $0x1  }
0x15: {  	[smem:$0x3FA7] =	sst s0;
	s0 =	simm.s32 @!p2 $0x0  }
0x16: {  	s3 =	sld [smem:$0x3FDB];
	s0 =	simm.s32 @p2 $0x1  }
0x17: {  	s4 =	simm.s32 $0x1BF5;
	[smem:$0x3FA9] =	sst s0  }
0x18: {  	s0 =	sld [smem:$0x3F8C];
	_ =	swait.ge [sflag:s4], $0x0  }
0x19: {  	s7 =	sld [smem:$0x3F8D]  }
0x1a: {  	s8 =	sadd.s32 $0xFFFFE003, lr  }
0x1b: {  	s9 =	sadd.s32 $0xFFFFFEF7, lr;
	s5 =	simm.s32 $0xFFFFFFFF;
	p2 =	slt.u32 s8, $0xFFFFF086  }
0x1c: {  	p1 =	slt.u32 s9, $0xF7A;
	s5 =	simm.s32 @!p2 $0x0  }
0x1d: {  	s5 =	simm.s32 @p1 $0x1;
	p0 =	seq.s32 s7, s2  }
0x1e: {  	s7 =	smul.u32 @!p0 $0xF7A, s2;
	p2 =	seq.s32 @!p0 s5, $0x0  }
0x1f: {  	s9 =	smul.u32 $0xF7A, s1;
	s8 =	simm.s32 @!p0 $0x1BF5;
	p2 =	por !p2, p0  }
0x20: {  	[sflag:s8] =	ssyncset.s32 @!p0 $0xFFFFF086;
	s6 =	sadd.s32 @!p0 s3, s7;
	s7 =	simm.s32 @!p0 $0x108  }
0x21: {  	s3 =	sadd.s32 s3, s9;
	s6 =	sadd.s32 @!p0 $0x88, s6;
	s7 =	simm.s32 @p2 $0x1082  }
0x22: {  	[simem:s7], [sflag:s8] =	dma.local @!p0 [hbm:s6], $0xF7A  }
0x23: {  	s9 =	sor.u32 $0xD0000000, s2;
	s6 =	simm.s32 $0x108;
	_ =	swait.ge @!p0 [sflag:s8], $0x0  }
0x24: {  	s3 =	sadd.s32 $0x88, s3;
	s6 =	simm.s32 @!p1 $0x1082;
	[sflag:s4] =	ssyncset.s32 $0xFFFFF086  }
0x25: {  	[simem:s6], [sflag:s4] =	dma.local [hbm:s3], $0xF7A  }
0x26: {  	[smem:$0x3F8D] =	sst s1;
	(tag) =	ssettag s2;
	_ =	strace s9  }
0x27: {  	s1 =	sld [smem:$0x3F9D]  }
0x28: {  	s2 =	sld [smem:$0x3F9E]  }
0x29: {  	s4 =	sld [smem:$0x3FA0]  }
0x2a: {  	p0 =	seq.s32 s5, $0x0;
	s5 =	sld [smem:$0x3FA1]  }
0x2b: {  	s6 =	sld [smem:$0x3FA2]  }
0x2c: {  	s7 =	sld [smem:$0x3FA3]  }
0x2d: {  	s3 =	simm.s32 $0x108;
	s8 =	sld [smem:$0x3FA4]  }
0x2e: {  	s3 =	simm.s32 @!p0 $0x1082;
	s9 =	sld [smem:$0x3FA5]  }
0x2f: {  	lr =	sadd.s32 s0, s3;
	s0 =	sld [smem:$0x3F9C]  }
0x30: {  	s3 =	sld [smem:$0x3F9F]  }
0x31: {  	[smem:$0x3FA8] =	sst s10  }
0x32: {  	s10 =	sld [smem:$0x3FA6];
	_ =	sdelay $0x3  }
0x33: {  	p0 =	seq.s32 s10, $0x1;
	s10 =	sld [smem:$0x3FA8];
	_ =	sdelay $0x3  }
0x34: {  	[smem:$0x3FA8] =	sst s10  }
0x35: {  	s10 =	sld [smem:$0x3FA7];
	_ =	sdelay $0x3  }
0x36: {  	p1 =	seq.s32 s10, $0x1;
	s10 =	sld [smem:$0x3FA8];
	_ =	sdelay $0x3  }
0x37: {  	[smem:$0x3FA8] =	sst s10  }
0x38: {  	s10 =	sld [smem:$0x3FA9]  }
0x39: {  	_ = 	snop;
	(pc) =	sbr.ind lr, $3  }
0x3a: {  	_ = 	snop  }
0x3b: {  	_ = 	snop  }
0x3c: {  	p2 =	seq.s32 s10, $0x1;
	s10 =	sld [smem:$0x3FA8]  }
0x3d: {  	_ =	shalt  }
0x3e: {  	_ =	shalt  }
0x3f: {  	_ =	shalt  }
0x40: {  	_ =	shalt  }
0x41: {  	_ =	shalt  }
0x42: {  	_ =	shalt  }
0x43: {  	_ =	shalt  }
0x44: {  	_ =	shalt  }
0x45: {  	_ =	shalt  }
0x46: {  	_ =	shalt  }
0x47: {  	_ =	shalt  }
0x48: {  	_ =	shalt  }
0x49: {  	_ =	shalt  }
0x4a: {  	_ =	shalt  }
0x4b: {  	_ =	shalt  }
0x4c: {  	_ =	shalt  }
0x4d: {  	_ =	shalt  }
0x4e: {  	_ =	shalt  }
0x4f: {  	_ =	shalt  }
0x50: {  	_ =	shalt  }
0x51: {  	_ =	shalt  }
0x52: {  	_ =	shalt  }
0x53: {  	_ =	shalt  }
0x54: {  	_ =	shalt  }
0x55: {  	_ =	shalt  }
0x56: {  	_ =	shalt  }
0x57: {  	_ =	shalt  }
0x58: {  	_ =	shalt  }
0x59: {  	_ =	shalt  }
0x5a: {  	_ =	shalt  }
0x5b: {  	_ =	shalt  }
0x5c: {  	_ =	shalt  }
0x5d: {  	_ =	shalt  }
0x5e: {  	_ =	shalt  }
0x5f: {  	_ =	shalt  }
0x60: {  	_ =	shalt  }
0x61: {  	_ =	shalt  }
0x62: {  	_ =	shalt  }
0x63: {  	_ =	shalt  }
0x64: {  	_ =	shalt  }
0x65: {  	_ =	shalt  }
0x66: {  	_ =	shalt  }
0x67: {  	_ =	shalt  }
0x68: {  	_ =	shalt  }
0x69: {  	_ =	shalt  }
0x6a: {  	_ =	shalt  }
0x6b: {  	_ =	shalt  }
0x6c: {  	_ =	shalt  }
0x6d: {  	_ =	shalt  }
0x6e: {  	_ =	shalt  }
0x6f: {  	_ =	shalt  }
0x70: {  	_ =	shalt  }
0x71: {  	_ =	shalt  }
0x72: {  	_ =	shalt  }
0x73: {  	_ =	shalt  }
0x74: {  	_ =	shalt  }
0x75: {  	_ =	shalt  }
0x76: {  	_ =	shalt  }
0x77: {  	_ =	shalt  }
0x78: {  	_ =	shalt  }
0x79: {  	_ =	shalt  }
0x7a: {  	_ =	shalt  }
0x7b: {  	_ =	shalt  }
0x7c: {  	_ =	shalt  }
0x7d: {  	_ =	shalt  }
0x7e: {  	_ =	shalt  }
0x7f: {  	_ =	shalt  }
0x80: {  	_ =	shalt  }
0x81: {  	_ =	shalt  }
0x82: {  	_ =	shalt  }
0x83: {  	_ =	shalt  }
0x84: {  	_ =	shalt  }
0x85: {  	_ =	shalt  }
0x86: {  	_ =	shalt  }
0x87: {  	_ =	shalt  }
.Lfunc_end0:
.L_simem_size_0:
called_computation.2_lowered:
.L_overlay_start_0:
0x88: {  	s2 =	sld [smem:$0x3FD9]  }
0x89: {  	s3 =	sld [smem:$0x3FFE];
	_ =	sdelay $0x1  }
0x8a: {  	s1 =	srdreg.scid  }
0x8b: {  	s0 =	sand.u32 $0x1, s1  }
0x8c: {  	s17 =	sshll.u32 s0, $0xA;
	s2 =	sadd.s32 s3, s2  }
0x8d: {  	s2 =	sadd.s32 s2, s17  }
0x8e: {  	[smem:$0x3FB4] =	sst s2  }
0x8f: {  	_ = 	snop  }
0x90: {  	s2 =	sld [smem:$0x3FC7]  }
0x91: {  	s18 =	sld [smem:$0x3FC6];
	(tm) =	ssettm $0x1  }
0x92: {  	s4 =	sld [smem:$0x3FFB];
	_ =	sdelay $0x3  }
0x93: {  	_ =	strace s4  }
0x94: {  	s4 =	sld [smem:$0x3FFC];
	_ =	sdelay $0x3  }
0x95: {  	_ =	strace s4  }
0x96: {  	s4 =	sld [smem:$0x3FFD];
	_ =	sdelay $0x3  }
0x97: {  	_ =	strace s4  }
0x98: {  	_ =	strace $0x8FFFFFFF  }
0x99: {  	s19 =	sld [smem:$0x3FDB];
	_ =	sdelay $0x1  }
0x9a: {  	s5 =	simm.s32 $_scs_section_size  }
0x9b: {  	s6 =	simm.s32 $_size__tile_overlayer_lowered;
	s7 =	simm.s32 $_tile_overlayer_lowered  }
0x9c: {  	s22 =	simm.s32 $0x1BFF;
	s21 =	sshll.u32 s7, $0x1;
	s4 =	sadd.s32 s5, s19  }
0x9d: {  	s8 =	simm.s32 $0x0;
	s20 =	sshll.u32 s6, $0x1;
	s6 =	sadd.s32 s21, s4  }
0x9e: {  	[timem:s8], [sflag:s22] =	dma.local [hbm:s6], s20  }
0x9f: {  	_ =	swait.ge [sflag:s22], s20  }
0xa0: {  	s5 =	ssub.s32 $0x0, s20;
	[sflag:s22] =	ssyncset.done $0x0  }
0xa1: {  	[sflag:s22] =	ssyncadd.s32 s5;
	_ =	sdelay $0x1  }
0xa2: {  	s23 =	simm.s32 $0x1B8B  }
0xa3: {  	_ =	swait.ge [sflag:s23], $0x1  }
0xa4: {  	[sflag:s23] =	ssyncset.done $0x0  }
0xa5: {  	s25 =	simm.s32 $0x1B8E;
	s24 =	sld [smem:$0x3FFE];
	[sflag:s23] =	ssyncadd.s32 $0xFFFFFFFF  }
0xa6: {  	s26 =	simm.s32 $execute0_lowered;
	[smem:$0x3FD2] =	sst s25  }
0xa7: {  	s6 =	sshll.u32 s26, $0x1;
	_ =	strace $0x8000004C;
	[dreg:$0x1] =	wrdreg $0xFFFFFFFF  }
0xa8: {  	s28 =	simm.s32 $_size_execute0_lowered;
	s4 =	sadd.s32 s4, s6;
	[dreg:$0x0] =	wrdreg $0x0  }
0xa9: {  	s6 =	sshll.u32 s28, $0x1;
	[dreg:$0x2] =	wrdreg s4  }
0xaa: {  	[dreg:$0x3] =	wrdreg s6  }
0xab: {  	[dreg:$0x4] =	wrdreg $0xC0  }
0xac: {  	_ =	task [dreg:s8], $0x5FFFF  }
0xad: {  	[dreg:$0x1] =	wrdreg $0xFFFFFFFF  }
0xae: {  	[dreg:$0x0] =	wrdreg $0x60  }
0xaf: {  	[dreg:$0x2] =	wrdreg s24  }
0xb0: {  	[dreg:$0x3] =	wrdreg s2  }
0xb1: {  	[dreg:$0x4] =	wrdreg s18  }
0xb2: {  	[dreg:$0x5] =	wrdreg $0x9  }
0xb3: {  	_ =	task.clear_ibuf [dreg:s8], $0x6FFFF;
	_ =	strace $0x9000004C  }
0xb4: {  	s29 =	simm.s32 $0x9;
	_ =	strace $0x8000004E  }
0xb5: {  	_ =	swait.ge [sflag:s29], $0x1  }
0xb6: {  	[sflag:s29] =	ssyncadd.s32 $0xFFFFFFFF  }
0xb7: {  	_ =	strace $0x9000004E  }
0xb8: {  	_ =	sfence  }
0xb9: {  	s30 =	sld [smem:$0x0];
	_ =	sdelay $0x2  }
0xba: {  	s31 =	sshll.u32 s1, $0xD;
	s1 =	sshrl.u32 s1, $0x2  }
0xbb: {  	s3 =	sand.u32 $0x4000, s31;
	s1 =	sadd.s32 s1, s30  }
0xbc: {  	s0 =	sor.u32 s3, s0;
	s1 =	sshll.u32 s1, $0x11  }
0xbd: {  	s0 =	sor.u32 s1, s0  }
0xbe: {  	s0 =	sadd.s32 $0x8F2B, s0  }
0xbf: {  	[sflag:s0] =	ssyncadd.remote.s32 $0x1  }
0xc0: {  	_ =	sfence.sel $0xFFFF  }
0xc1: {  	[dreg:$0x0] =	wrdreg $0xFFFFFFFF;
	(pc) =	sbr.abs _section_cstart, $3  }
0xc2: {  	[dreg:$0x1] =	wrdreg $0xFFFFFFFF  }
0xc3: {  	_ =	task.clear_ibuf [dreg:s8], $0x2FFFF;
	_ =	strace $0x9FFFFFFF  }
0xc4: {  	(tm) =	ssettm $0x7FFFFFFF  }
0xc5: {  	_ =	shalt  }
tec
execute0_lowered:
.L_overlay_start_1:
0x0: {  	(tag) =	ssettag $0x1  }
0x1: {  	s7 =	rddreg [dreg:$0x0]  }
0x2: {  	s1 =	rddreg [dreg:$0x1]  }
0x3: {  	s2 =	rddreg [dreg:$0x2]  }
0x4: {  	s0 =	rddreg [dreg:$0x3];
	s3 =	simm.s32 $0x0  }
0x5: {  	s4 =	srdreg.scid;
	s11 =	simm.s32 $0x80;
	s12 =	simm.s32 $0x100  }
0x6: {  	s13 =	simm.s32 $0x1;
	s14 =	simm.s32 $0x2100;
	s15 =	simm.s32 $0x0  }
0x7: {  	[smem:$0x7FF] =	sst s3;
	s8 =	sand.u32 $0x1, s4;
	s5 =	sadd.s32 $0x2C00, s7  }
0x8: {  	s6 =	sadd.s32 $0x16600, s7;
	s4 =	stileid.u32;
	s9 =	ssub.s32 $0x2, s8  }
0x9: {  	s7 =	sadd.s32 $0x2A000, s7;
	_ =	strace $0x8000004D;
	s10 =	sshrl.u32 s9, $0x1  }
0xa: {  	s8 =	sshll.u32 s8, $0xF;
	s31 =	sshll.u32 s4, $0xB;
	s9 =	ssub.s32 s9, s10  }
0xb: {  	s8 =	sor.u32 s31, s8;
	s10 =	simm.s32 $0x2;
	s9 =	smax.u32 s9, $0x1  }
.LBB2_1:
0xc: {  	s16 =	simm.s32 $0x0  }
.LBB2_2:
0xd: {  	s17 =	sshll.u32 s16, $0x7  }
0xe: {  	s17 =	sadd.s32 s8, s17  }
0xf: {  	s18 =	sshrl.u32 s17, $0x3  }
0x10: {  	s20 =	simm.s32 $0x0;
	s19 =	sadd.s32 s1, s18  }
0x11: {  	[tilespmem:s20], [sflag:$0x2] =	stream.linear.gather [hbm4b:s19+s20], $0x80, $0x38;
	[tilespmem:$0x4100] =	vst v63  }
0x12: {  	_ =	swait.ge [sflag:s10], $0x80  }
0x13: {  	[sflag:s10] =	ssyncset.done $0x0  }
0x14: {  	s18 =	sadd.s32 s2, s18;
	[sflag:s10] =	ssyncadd.s32 $0xFFFFFF80  }
0x15: {  	[tilespmem:s11], [sflag:$0x2] =	stream.linear.gather [hbm4b:s18+s20], $0x80, $0x38;
	[tilespmem:$0x4100] =	vst v63  }
0x16: {  	_ =	swait.ge [sflag:s10], $0x80  }
0x17: {  	[sflag:s10] =	ssyncset.done $0x0  }
0x18: {  	[sflag:s10] =	ssyncadd.s32 $0xFFFFFF80  }
0x19: {  	[tilespmem:s12], [sflag:$0x1] =	stream.indirect.gather [hbm4b:s5+s11], $0x40, s20, s11, $0xb8;
	[tilespmem:$0x4100] =	vst v63  }
0x1a: {  	_ =	swait.ge [sflag:s13], $0x2000  }
0x1b: {  	[sflag:s13] =	ssyncset.done $0x0  }
0x1c: {  	[sflag:s13] =	ssyncadd.s32 $0xFFFFE000  }
0x1d: {  	[tilespmem:s14], [sflag:$0x1] =	stream.indirect.gather [hbm4b:s6+s11], $0x40, s11, s11, $0xb8;
	[tilespmem:$0x4100] =	vst v63  }
0x1e: {  	_ =	swait.ge [sflag:s13], $0x2000  }
0x1f: {  	[sflag:s13] =	ssyncset.done $0x0  }
0x20: {  	s18 =	simm.s32 $0x0;
	[sflag:s13] =	ssyncadd.s32 $0xFFFFE000  }
0x21: {  	v5 =	vld [tilespmem:s18+$0x2100]  }
0x22: {  	v6 =	vld [tilespmem:s18+$0x2110]  }
0x23: {  	v1 =	vld [tilespmem:s18+$0x2120]  }
0x24: {  	v0 =	vld [tilespmem:s18+$0x2130]  }
0x25: {  	v2 =	vld [tilespmem:s18+$0x100]  }
0x26: {  	v4 =	vld [tilespmem:s18+$0x110]  }
0x27: {  	s19 =	simm.s32 $0x100;
	v3 =	vld [tilespmem:s18+$0x120]  }
.LBB2_3:
0x28: {  	s20 =	sshra.s32 s19, $0x2;
	p0 =	sne.s32 s19, $0x7F00;
	v7 =	vld [tilespmem:s18+$0x130];
	v8 =	vmov v1  }
0x29: {  	v9 =	vld [tilespmem:s20+$0x2100];
	v10 =	vmov v0  }
0x2a: {  	v11 =	vld [tilespmem:s20+$0x2110];
	v2 =	vadd.f32 v5, v2  }
.Ltmp0:
0x2b: {  	v1 =	vld [tilespmem:s20+$0x2120];
	v4 =	vadd.f32 v6, v4;
	(pc) =	sbr.rel @p0 .LBB2_3-.Ltmp0, $4  }
0x2c: {  	v0 =	vld [tilespmem:s20+$0x2130];
	[tilespmem:s18+$0x100] =	vst v2;
	v3 =	vadd.f32 v8, v3  }
0x2d: {  	v2 =	vld [tilespmem:s20+$0x100];
	[tilespmem:s18+$0x110] =	vst v4;
	v7 =	vadd.f32 v10, v7  }
0x2e: {  	v4 =	vld [tilespmem:s20+$0x110];
	[tilespmem:s18+$0x120] =	vst v3;
	v5 =	vmov v9  }
0x2f: {  	s19 =	sadd.s32 $0x100, s19;
	v3 =	vld [tilespmem:s20+$0x120];
	[tilespmem:s18+$0x130] =	vst v7;
	v6 =	vmov v11;
	s18 =	smov.u32 s20  }
0x30: {  	v7 =	vld [tilespmem:s18+$0x130];
	_ =	sdelay $0x1  }
0x31: {  	v2 =	vadd.f32 v5, v2  }
0x32: {  	v4 =	vadd.f32 v6, v4  }
0x33: {  	[tilespmem:s18+$0x100] =	vst v2;
	v1 =	vadd.f32 v1, v3  }
0x34: {  	s16 =	sadd.s32 $0x1, s16;
	[tilespmem:s18+$0x110] =	vst v4;
	v0 =	vadd.f32 v0, v7  }
0x35: {  	s17 =	sshll.u32 s17, $0x3;
	p0 =	sne.s32 s16, $0x10;
	[tilespmem:s18+$0x120] =	vst v1  }
.Ltmp1:
0x36: {  	s17 =	sadd.s32 s7, s17;
	[tilespmem:s18+$0x130] =	vst v0;
	(pc) =	sbr.rel @p0 .LBB2_2-.Ltmp1, $4  }
0x37: {  	[hbm4b:s17+s3] =	stream.linear.scatter [tilespmem:s12], [sflag:$0x2], $0x2000, $0x38;
	[tilespmem:$0x4100] =	vst v63  }
0x38: {  	_ =	swait.ge [sflag:s10], $0x2000  }
0x39: {  	[sflag:s10] =	ssyncset.done $0x0  }
0x3a: {  	[sflag:s10] =	ssyncadd.s32 $0xFFFFE000  }
0x3b: {  	s15 =	sadd.s32 $0x1, s15  }
0x3c: {  	p0 =	sne.s32 s15, s9  }
.Ltmp2:
0x3d: {  	_ = 	snop;
	(pc) =	sbr.rel @p0 .LBB2_1-.Ltmp2, $1  }
0x3e: {  	_ =	sdelay $0x3  }
0x3f: {  	_ =	sfence.sel $0x180000  }
0x40: {  	[bflag:$0x0] =	sbarrier.arrive $0xFFFF  }
0x41: {  	p0 =	sne.s32 s4, $0x0;
	_ =	strace $0x9000004D  }
0x42: {  	s0 =	sadd.s32 @!p0 $0x100000, s0;
	[bflag:$0x2] =	sbarrier.arrive $0xFFFF  }
0x43: {  	[sflag:s0] =	ssyncadd.tile.s32 @!p0 $0x1;
	_ =	shalt  }
.Lfunc_end2:
_tile_overlayer_lowered:
.L_overlay_start_2:
0x44: {  	(tag) =	ssettag $0x2  }
0x45: {  	s0 =	rddreg [dreg:$0x0];
	s2 =	stileid.u32  }
0x46: {  	s1 =	rddreg [dreg:$0x1];
	p0 =	sne.s32 s2, $0x0  }
0x47: {  	s3 =	rddreg [dreg:$0x2];
	[bflag:$0x3] =	sbarrier.arrive $0xFFFF;
	s2 =	simm.s32 @!p0 $0x1C02  }
0x48: {  	[timem:s3], [sflag:s2] =	dma.local @!p0 [hbm:s0], s1  }
0x49: {  	s0 =	simm.s32 @!p0 $0x2  }
0x4a: {  	_ =	swait.ge @!p0 [sflag:s0], s1  }
0x4b: {  	s1 =	ssub.s32 @!p0 $0x0, s1;
	[sflag:s0] =	ssyncset.done @!p0 $0x0  }
0x4c: {  	[sflag:s0] =	ssyncadd.s32 @!p0 s1  }
0x4d: {  	[bflag:$0x3] =	sbarrier.arrive $0xFFFF  }
0x4e: {  	_ =	shalt  }

</sc_bundles>
